<compile_context>
chip_gen: v7x
topology: tpu7x:2x2x1
jax: 0.10.2.dev20260603
libtpu: 0.0.44.dev20260713+nightly
codegen_flags: <defaults>
</compile_context>

<pallas_src>
import functools

import jax
import jax.numpy as jnp
from jax import lax
from jax.experimental import pallas as pl
from jax.experimental.pallas import tpu as pltpu
from jax.experimental.pallas import tpu_sc as plsc

_B = 16
_SEQ = 2048
_HALF = 1024
_D = 128
_ROWS = _B * _SEQ
_NC = 2
_NS = 16
_NW = _NC * _NS
_PER_W = _ROWS // _NW
_CHUNK = 128
_NCHUNK = _PER_W // _CHUNK
_L = 16

_sc_mesh = plsc.VectorSubcoreMesh(core_axis_name="c", subcore_axis_name="s")


@functools.partial(
    pl.kernel,
    out_type=jax.ShapeDtypeStruct((_ROWS, _D), jnp.float32),
    mesh=_sc_mesh,
    scratch_types=[
        pltpu.VMEM((_NCHUNK, _CHUNK), jnp.int32),
        pltpu.VMEM((2, _D), jnp.float32),
        pltpu.VMEM((_CHUNK, _D), jnp.float32),
        pltpu.VMEM((_CHUNK, _D), jnp.float32),
        pltpu.VMEM((_CHUNK, _D), jnp.float32),
        pltpu.VMEM((_CHUNK, _D), jnp.float32),
        pltpu.VMEM_SHARED((_SEQ, _D), jnp.float32),
        pltpu.SemaphoreType.DMA,
        pltpu.SemaphoreType.DMA,
        pltpu.SemaphoreType.DMA,
        pltpu.SemaphoreType.DMA,
        pltpu.SemaphoreType.DMA,
        pltpu.SemaphoreType.DMA,
        pltpu.SemaphoreType.DMA,
        pltpu.SemaphoreType.DMA,
        pltpu.SemaphoreType.DMA,
        pltpu.SemaphoreType.DMA,
        pltpu.SemaphoreType.DMA,
        pltpu.SemaphoreType.DMA,
    ],
)
def _sc_embed(x_hbm, tok_hbm, pos_hbm, seg_hbm, out_hbm,
              idx_v, seg_v, rows0, rows1, rows2, rows3, comb_sp,
              sc0, sc1, sc2, sc3, sg0, sg1, sg2, sg3, so0, so1, so2, so3):
    sid = lax.axis_index("s")
    wid = sid * _NC + lax.axis_index("c")
    base = wid * _PER_W
    pos0 = (wid % 2) * _HALF
    rows = (rows0, rows1, rows2, rows3)
    sem_c = (sc0, sc1, sc2, sc3)
    sem_g = (sg0, sg1, sg2, sg3)
    sem_o = (so0, so1, so2, so3)

    pos_cp = pltpu.async_copy(pos_hbm.at[pl.ds(sid * _CHUNK, _CHUNK), :],
                              rows0, sc0)
    x_cp = pltpu.async_copy(x_hbm.at[pl.ds(wid * _NCHUNK, _NCHUNK), :],
                            idx_v, sc1)
    pltpu.sync_copy(seg_hbm, seg_v)
    segs = []
    for c in range(_D // _L):
        s0 = seg_v[0, pl.ds(c * _L, _L)]
        s1 = seg_v[1, pl.ds(c * _L, _L)]
        segs.append(jnp.where(sid >= _NS // 2, s1, s0))
    pos_cp.wait()

    def _seg_add(r, carry):
        for c in range(_D // _L):
            sl = pl.ds(c * _L, _L)
            rows0[r, sl] = rows0[r, sl] + segs[c]
        return carry

    lax.fori_loop(0, _CHUNK, _seg_add, 0)
    pltpu.sync_copy(rows0, comb_sp.at[pl.ds(sid * _CHUNK, _CHUNK), :])
    x_cp.wait()
    plsc.subcore_barrier()

    def comb_load(j):
        return pltpu.async_copy(
            comb_sp.at[pl.ds(pos0 + j * _CHUNK, _CHUNK), :],
            rows[j % 4], sem_c[j % 4])

    def gather(j):
        return pltpu.async_copy(tok_hbm.at[idx_v.at[j]], rows[j % 4],
                                sem_g[j % 4], add=True)

    def out_store(j):
        return pltpu.async_copy(
            rows[j % 4], out_hbm.at[pl.ds(base + j * _CHUNK, _CHUNK), :],
            sem_o[j % 4])

    cps = {}
    for j in range(3):
        cps["c", j] = comb_load(j)
    for j in range(_NCHUNK):
        cps["c", j].wait()
        cps["g", j] = gather(j)
        if j >= 1:
            cps["g", j - 1].wait()
            cps["o", j - 1] = out_store(j - 1)
        if j + 3 < _NCHUNK:
            if j >= 1:
                cps["o", j - 1].wait()
            cps["c", j + 3] = comb_load(j + 3)
    cps["g", _NCHUNK - 1].wait()
    cps["o", _NCHUNK - 1] = out_store(_NCHUNK - 1)
    for j in range(4, _NCHUNK):
        cps["o", j].wait()


def kernel(x, token_table, pos_table, seg_table):
    x2d = x.reshape(_ROWS // _CHUNK, _CHUNK).astype(jnp.int32)
    out = _sc_embed(x2d, token_table, pos_table, seg_table)
    return out.reshape(_B, _SEQ, _D)

# --- scband reference (transcript-rebuilt; emitter-appended) ---
"""Pipeline reference for scband-bert-embedding-59648505807374 (READ-ONLY COPY).

The authoritative reference and input builder live on the scoring server;
editing this copy changes nothing except your own understanding.
"""

import jax, jax.numpy as jnp
import numpy as np

MAX_LEN = 1024
VOCAB_SIZE = 100000
EMBED_DIM = 128
BATCH = 16


def setup_inputs(seed: int = 0) -> dict:
    key = jax.random.key(seed)
    k_x, k_tok, k_pos, k_seg = jax.random.split(key, 4)
    x = jax.random.randint(k_x, (BATCH, 2 * MAX_LEN), 0, VOCAB_SIZE, dtype=jnp.int64 if jax.config.read('jax_enable_x64') else jnp.int32)
    token_table = jax.random.normal(k_tok, (VOCAB_SIZE, EMBED_DIM), dtype=jnp.float32) * 0.02
    pos_table = jax.random.normal(k_pos, (2 * MAX_LEN, EMBED_DIM), dtype=jnp.float32) * 0.02
    seg_table = jax.random.normal(k_seg, (2, EMBED_DIM), dtype=jnp.float32) * 0.02
    return {"x": x, "token_table": token_table, "pos_table": pos_table, "seg_table": seg_table}


def reference(x, token_table, pos_table, seg_table):
    seq = 2 * MAX_LEN
    # positions = pos_emb(range(2*max_len))  -> identity gather over the full table
    positions = jnp.take(pos_table, jnp.arange(seq), axis=0)          # [2L, D]
    # segments: first max_len tokens -> segment 0, second max_len -> segment 1
    seg_ids = jnp.concatenate([jnp.zeros((MAX_LEN,), dtype=jnp.int32),
                               jnp.ones((MAX_LEN,), dtype=jnp.int32)], axis=0)
    segments = jnp.take(seg_table, seg_ids, axis=0)                    # [2L, D]
    tok = jnp.take(token_table, x, axis=0)                             # [B, 2L, D]
    return tok + positions[None, :, :] + segments[None, :, :]

if __name__ == "__main__":
    import jax
    _d = setup_inputs()
    print(jax.jit(kernel)(*tuple(_d.values())))

</pallas_src>

<mosaic_0001>
#map = affine_map<(d0, d1) -> (0, 0)>
module attributes {stable_mosaic.version = 14 : i64} {
  func.func @_sc_embed(%arg0: i32, %arg1: i32, %arg2: memref<256x128xi32, #tpu.memory_space<hbm>>, %arg3: memref<100000x128xf32, #tpu.memory_space<hbm>>, %arg4: memref<2048x128xf32, #tpu.memory_space<hbm>>, %arg5: memref<2x128xf32, #tpu.memory_space<hbm>>, %arg6: memref<32768x128xf32, #tpu.memory_space<hbm>>, %arg7: memref<8x128xi32, #tpu.memory_space<vmem>>, %arg8: memref<2x128xf32, #tpu.memory_space<vmem>>, %arg9: memref<128x128xf32, #tpu.memory_space<vmem>>, %arg10: memref<128x128xf32, #tpu.memory_space<vmem>>, %arg11: memref<128x128xf32, #tpu.memory_space<vmem>>, %arg12: memref<128x128xf32, #tpu.memory_space<vmem>>, %arg13: memref<2048x128xf32, #tpu.memory_space<vmem_shared>>, %arg14: memref<!tpu.dma_semaphore, #tpu.memory_space<semaphore_mem>>, %arg15: memref<!tpu.dma_semaphore, #tpu.memory_space<semaphore_mem>>, %arg16: memref<!tpu.dma_semaphore, #tpu.memory_space<semaphore_mem>>, %arg17: memref<!tpu.dma_semaphore, #tpu.memory_space<semaphore_mem>>, %arg18: memref<!tpu.dma_semaphore, #tpu.memory_space<semaphore_mem>>, %arg19: memref<!tpu.dma_semaphore, #tpu.memory_space<semaphore_mem>>, %arg20: memref<!tpu.dma_semaphore, #tpu.memory_space<semaphore_mem>>, %arg21: memref<!tpu.dma_semaphore, #tpu.memory_space<semaphore_mem>>, %arg22: memref<!tpu.dma_semaphore, #tpu.memory_space<semaphore_mem>>, %arg23: memref<!tpu.dma_semaphore, #tpu.memory_space<semaphore_mem>>, %arg24: memref<!tpu.dma_semaphore, #tpu.memory_space<semaphore_mem>>, %arg25: memref<!tpu.dma_semaphore, #tpu.memory_space<semaphore_mem>>) attributes {dimension_semantics = [#tpu.dimension_semantics<core_parallel>, #tpu.dimension_semantics<subcore_parallel>], iteration_bounds = array<i64: 2, 16>, scalar_prefetch = 0 : i64, scratch_operands = 19 : i64, tpu.core_type = #tpu.core_type<sc_vector_subcore>, window_params = [{transform_indices = #map}, {transform_indices = #map}, {transform_indices = #map}, {transform_indices = #map}, {transform_indices = #map}]} {
    %mul3A = arith.constant 2 : i32
    %mul3A_0 = arith.muli %arg1, %mul3A : i32
    %add3A = arith.addi %mul3A_0, %arg0 : i32
    %mul3A_1 = arith.constant 1024 : i32
    %mul3A_2 = arith.muli %add3A, %mul3A_1 : i32
    %jit3A = arith.constant 2 : i32
    %eq3A = arith.constant 0 : i32
    %eq3A_3 = arith.cmpi eq, %jit3A, %eq3A : i32
    %jit3A_4 = arith.constant 1 : i32
    %select_n3A = arith.select %eq3A_3, %jit3A_4, %jit3A : i32
    %rem3A = arith.remsi %add3A, %select_n3A : i32
    %ne3A = arith.constant 0 : i32
    %ne3A_5 = arith.cmpi ne, %rem3A, %ne3A : i32
    %lt3A = arith.constant 0 : i32
    %lt3A_6 = arith.cmpi slt, %rem3A, %lt3A : i32
    %lt3A_7 = arith.constant 0 : i32
    %lt3A_8 = arith.cmpi slt, %select_n3A, %lt3A_7 : i32
    %ne3A_9 = arith.xori %lt3A_6, %lt3A_8 : i1
    %and3A = arith.andi %ne3A_9, %ne3A_5 : i1
    %add3A_10 = arith.addi %rem3A, %select_n3A : i32
    %select_n3A_11 = arith.select %and3A, %add3A_10, %rem3A : i32
    %mul3A_12 = arith.constant 1024 : i32
    %mul3A_13 = arith.muli %select_n3A_11, %mul3A_12 : i32
    %mul3A_14 = arith.constant 128 : i32
    %mul3A_15 = arith.muli %arg1, %mul3A_14 : i32
    %dma_start3A = arith.constant 0 : i32
    %dma_start3A_16 = tpu.memref_slice %arg4[%mul3A_15, %dma_start3A] : memref<2048x128xf32, #tpu.memory_space<hbm>> -> memref<128x128xf32, #tpu.memory_space<hbm>>
    %dma_start3A_17 = arith.constant 0 : i32
    %dma_start3A_18 = tpu.memref_slice %arg4[%mul3A_15, %dma_start3A_17] : memref<2048x128xf32, #tpu.memory_space<hbm>> -> memref<128x128xf32, #tpu.memory_space<hbm>>
    tpu.enqueue_dma source(%dma_start3A_18 : memref<128x128xf32, #tpu.memory_space<hbm>>) target(%arg9 : memref<128x128xf32, #tpu.memory_space<vmem>>) target_semaphore(%arg14 : memref<!tpu.dma_semaphore, #tpu.memory_space<semaphore_mem>>)
    %mul3A_19 = arith.constant 8 : i32
    %mul3A_20 = arith.muli %add3A, %mul3A_19 : i32
    %dma_start3A_21 = arith.constant 0 : i32
    %dma_start3A_22 = tpu.memref_slice %arg2[%mul3A_20, %dma_start3A_21] : memref<256x128xi32, #tpu.memory_space<hbm>> -> memref<8x128xi32, #tpu.memory_space<hbm>>
    %dma_start3A_23 = arith.constant 0 : i32
    %dma_start3A_24 = tpu.memref_slice %arg2[%mul3A_20, %dma_start3A_23] : memref<256x128xi32, #tpu.memory_space<hbm>> -> memref<8x128xi32, #tpu.memory_space<hbm>>
    tpu.enqueue_dma source(%dma_start3A_24 : memref<8x128xi32, #tpu.memory_space<hbm>>) target(%arg7 : memref<8x128xi32, #tpu.memory_space<vmem>>) target_semaphore(%arg15 : memref<!tpu.dma_semaphore, #tpu.memory_space<semaphore_mem>>)
    "tpu.region"() ({
      %run_scoped3A = tpu.sem_alloc : memref<!tpu.dma_semaphore, #tpu.memory_space<semaphore_mem>>
      tpu.enqueue_dma source(%arg5 : memref<2x128xf32, #tpu.memory_space<hbm>>) target(%arg8 : memref<2x128xf32, #tpu.memory_space<vmem>>) target_semaphore(%run_scoped3A : memref<!tpu.dma_semaphore, #tpu.memory_space<semaphore_mem>>)
      tpu.wait_dma2 semaphore(%run_scoped3A : memref<!tpu.dma_semaphore, #tpu.memory_space<semaphore_mem>>) src(%arg5 : memref<2x128xf32, #tpu.memory_space<hbm>>) dst(%arg8 : memref<2x128xf32, #tpu.memory_space<vmem>>)
      tpu.yield
    }) : () -> ()
    %get3A = arith.constant 0 : i32
    %get3A_25 = arith.index_cast %get3A : i32 to index
    %get3A_26 = arith.constant 0 : index
    %get3A_27 = tpu.vector_load %arg8[%get3A_25, %get3A_26] {strides = array<i32>} : memref<2x128xf32, #tpu.memory_space<vmem>>, vector<1x16xf32>,
    %get3A_28 = vector.shape_cast %get3A_27 : vector<1x16xf32> to vector<16xf32>
    %get3A_29 = arith.constant 1 : i32
    %get3A_30 = arith.index_cast %get3A_29 : i32 to index
    %get3A_31 = arith.constant 0 : index
    %get3A_32 = tpu.vector_load %arg8[%get3A_30, %get3A_31] {strides = array<i32>} : memref<2x128xf32, #tpu.memory_space<vmem>>, vector<1x16xf32>,
    %get3A_33 = vector.shape_cast %get3A_32 : vector<1x16xf32> to vector<16xf32>
    %ge3A = arith.constant 8 : i32
    %ge3A_34 = arith.cmpi sge, %arg1, %ge3A : i32
    %select_n3A_35 = arith.select %ge3A_34, %get3A_33, %get3A_28 : vector<16xf32>
    %get3A_36 = arith.constant 0 : i32
    %get3A_37 = arith.index_cast %get3A_36 : i32 to index
    %get3A_38 = arith.constant 16 : index
    %get3A_39 = tpu.vector_load %arg8[%get3A_37, %get3A_38] {strides = array<i32>} : memref<2x128xf32, #tpu.memory_space<vmem>>, vector<1x16xf32>,
    %get3A_40 = vector.shape_cast %get3A_39 : vector<1x16xf32> to vector<16xf32>
    %get3A_41 = arith.constant 1 : i32
    %get3A_42 = arith.index_cast %get3A_41 : i32 to index
    %get3A_43 = arith.constant 16 : index
    %get3A_44 = tpu.vector_load %arg8[%get3A_42, %get3A_43] {strides = array<i32>} : memref<2x128xf32, #tpu.memory_space<vmem>>, vector<1x16xf32>,
    %get3A_45 = vector.shape_cast %get3A_44 : vector<1x16xf32> to vector<16xf32>
    %ge3A_46 = arith.constant 8 : i32
    %ge3A_47 = arith.cmpi sge, %arg1, %ge3A_46 : i32
    %select_n3A_48 = arith.select %ge3A_47, %get3A_45, %get3A_40 : vector<16xf32>
    %get3A_49 = arith.constant 0 : i32
    %get3A_50 = arith.index_cast %get3A_49 : i32 to index
    %get3A_51 = arith.constant 32 : index
    %get3A_52 = tpu.vector_load %arg8[%get3A_50, %get3A_51] {strides = array<i32>} : memref<2x128xf32, #tpu.memory_space<vmem>>, vector<1x16xf32>,
    %get3A_53 = vector.shape_cast %get3A_52 : vector<1x16xf32> to vector<16xf32>
    %get3A_54 = arith.constant 1 : i32
    %get3A_55 = arith.index_cast %get3A_54 : i32 to index
    %get3A_56 = arith.constant 32 : index
    %get3A_57 = tpu.vector_load %arg8[%get3A_55, %get3A_56] {strides = array<i32>} : memref<2x128xf32, #tpu.memory_space<vmem>>, vector<1x16xf32>,
    %get3A_58 = vector.shape_cast %get3A_57 : vector<1x16xf32> to vector<16xf32>
    %ge3A_59 = arith.constant 8 : i32
    %ge3A_60 = arith.cmpi sge, %arg1, %ge3A_59 : i32
    %select_n3A_61 = arith.select %ge3A_60, %get3A_58, %get3A_53 : vector<16xf32>
    %get3A_62 = arith.constant 0 : i32
    %get3A_63 = arith.index_cast %get3A_62 : i32 to index
    %get3A_64 = arith.constant 48 : index
    %get3A_65 = tpu.vector_load %arg8[%get3A_63, %get3A_64] {strides = array<i32>} : memref<2x128xf32, #tpu.memory_space<vmem>>, vector<1x16xf32>,
    %get3A_66 = vector.shape_cast %get3A_65 : vector<1x16xf32> to vector<16xf32>
    %get3A_67 = arith.constant 1 : i32
    %get3A_68 = arith.index_cast %get3A_67 : i32 to index
    %get3A_69 = arith.constant 48 : index
    %get3A_70 = tpu.vector_load %arg8[%get3A_68, %get3A_69] {strides = array<i32>} : memref<2x128xf32, #tpu.memory_space<vmem>>, vector<1x16xf32>,
    %get3A_71 = vector.shape_cast %get3A_70 : vector<1x16xf32> to vector<16xf32>
    %ge3A_72 = arith.constant 8 : i32
    %ge3A_73 = arith.cmpi sge, %arg1, %ge3A_72 : i32
    %select_n3A_74 = arith.select %ge3A_73, %get3A_71, %get3A_66 : vector<16xf32>
    %get3A_75 = arith.constant 0 : i32
    %get3A_76 = arith.index_cast %get3A_75 : i32 to index
    %get3A_77 = arith.constant 64 : index
    %get3A_78 = tpu.vector_load %arg8[%get3A_76, %get3A_77] {strides = array<i32>} : memref<2x128xf32, #tpu.memory_space<vmem>>, vector<1x16xf32>,
    %get3A_79 = vector.shape_cast %get3A_78 : vector<1x16xf32> to vector<16xf32>
    %get3A_80 = arith.constant 1 : i32
    %get3A_81 = arith.index_cast %get3A_80 : i32 to index
    %get3A_82 = arith.constant 64 : index
    %get3A_83 = tpu.vector_load %arg8[%get3A_81, %get3A_82] {strides = array<i32>} : memref<2x128xf32, #tpu.memory_space<vmem>>, vector<1x16xf32>,
    %get3A_84 = vector.shape_cast %get3A_83 : vector<1x16xf32> to vector<16xf32>
    %ge3A_85 = arith.constant 8 : i32
    %ge3A_86 = arith.cmpi sge, %arg1, %ge3A_85 : i32
    %select_n3A_87 = arith.select %ge3A_86, %get3A_84, %get3A_79 : vector<16xf32>
    %get3A_88 = arith.constant 0 : i32
    %get3A_89 = arith.index_cast %get3A_88 : i32 to index
    %get3A_90 = arith.constant 80 : index
    %get3A_91 = tpu.vector_load %arg8[%get3A_89, %get3A_90] {strides = array<i32>} : memref<2x128xf32, #tpu.memory_space<vmem>>, vector<1x16xf32>,
    %get3A_92 = vector.shape_cast %get3A_91 : vector<1x16xf32> to vector<16xf32>
    %get3A_93 = arith.constant 1 : i32
    %get3A_94 = arith.index_cast %get3A_93 : i32 to index
    %get3A_95 = arith.constant 80 : index
    %get3A_96 = tpu.vector_load %arg8[%get3A_94, %get3A_95] {strides = array<i32>} : memref<2x128xf32, #tpu.memory_space<vmem>>, vector<1x16xf32>,
    %get3A_97 = vector.shape_cast %get3A_96 : vector<1x16xf32> to vector<16xf32>
    %ge3A_98 = arith.constant 8 : i32
    %ge3A_99 = arith.cmpi sge, %arg1, %ge3A_98 : i32
    %select_n3A_100 = arith.select %ge3A_99, %get3A_97, %get3A_92 : vector<16xf32>
    %get3A_101 = arith.constant 0 : i32
    %get3A_102 = arith.index_cast %get3A_101 : i32 to index
    %get3A_103 = arith.constant 96 : index
    %get3A_104 = tpu.vector_load %arg8[%get3A_102, %get3A_103] {strides = array<i32>} : memref<2x128xf32, #tpu.memory_space<vmem>>, vector<1x16xf32>,
    %get3A_105 = vector.shape_cast %get3A_104 : vector<1x16xf32> to vector<16xf32>
    %get3A_106 = arith.constant 1 : i32
    %get3A_107 = arith.index_cast %get3A_106 : i32 to index
    %get3A_108 = arith.constant 96 : index
    %get3A_109 = tpu.vector_load %arg8[%get3A_107, %get3A_108] {strides = array<i32>} : memref<2x128xf32, #tpu.memory_space<vmem>>, vector<1x16xf32>,
    %get3A_110 = vector.shape_cast %get3A_109 : vector<1x16xf32> to vector<16xf32>
    %ge3A_111 = arith.constant 8 : i32
    %ge3A_112 = arith.cmpi sge, %arg1, %ge3A_111 : i32
    %select_n3A_113 = arith.select %ge3A_112, %get3A_110, %get3A_105 : vector<16xf32>
    %get3A_114 = arith.constant 0 : i32
    %get3A_115 = arith.index_cast %get3A_114 : i32 to index
    %get3A_116 = arith.constant 112 : index
    %get3A_117 = tpu.vector_load %arg8[%get3A_115, %get3A_116] {strides = array<i32>} : memref<2x128xf32, #tpu.memory_space<vmem>>, vector<1x16xf32>,
    %get3A_118 = vector.shape_cast %get3A_117 : vector<1x16xf32> to vector<16xf32>
    %get3A_119 = arith.constant 1 : i32
    %get3A_120 = arith.index_cast %get3A_119 : i32 to index
    %get3A_121 = arith.constant 112 : index
    %get3A_122 = tpu.vector_load %arg8[%get3A_120, %get3A_121] {strides = array<i32>} : memref<2x128xf32, #tpu.memory_space<vmem>>, vector<1x16xf32>,
    %get3A_123 = vector.shape_cast %get3A_122 : vector<1x16xf32> to vector<16xf32>
    %ge3A_124 = arith.constant 8 : i32
    %ge3A_125 = arith.cmpi sge, %arg1, %ge3A_124 : i32
    %select_n3A_126 = arith.select %ge3A_125, %get3A_123, %get3A_118 : vector<16xf32>
    %dma_wait3A = arith.constant 0 : i32
    %dma_wait3A_127 = tpu.memref_slice %arg4[%mul3A_15, %dma_wait3A] : memref<2048x128xf32, #tpu.memory_space<hbm>> -> memref<128x128xf32, #tpu.memory_space<hbm>>
    %dma_wait3A_128 = arith.constant 0 : i32
    %dma_wait3A_129 = tpu.memref_slice %arg4[%mul3A_15, %dma_wait3A_128] : memref<2048x128xf32, #tpu.memory_space<hbm>> -> memref<128x128xf32, #tpu.memory_space<hbm>>
    tpu.wait_dma2 semaphore(%arg14 : memref<!tpu.dma_semaphore, #tpu.memory_space<semaphore_mem>>) src(%dma_wait3A_129 : memref<128x128xf32, #tpu.memory_space<hbm>>) dst(%arg9 : memref<128x128xf32, #tpu.memory_space<vmem>>)
    %scan3A = arith.constant 0 : i32
    %scan3A_130 = arith.constant 0 : i32
    %scan3A_131 = arith.constant 128 : i32
    %scan3A_132 = arith.addi %scan3A_130, %scan3A_131 : i32
    %scan3A_133 = arith.constant 1 : i32
    scf.for %scan3A_413 = %scan3A_130 to %scan3A_132 step %scan3A_133  : i32 {
      %get3A_414 = arith.index_cast %scan3A_413 : i32 to index
      %get3A_415 = arith.constant 0 : index
      %get3A_416 = tpu.vector_load %arg9[%get3A_414, %get3A_415] {strides = array<i32>} : memref<128x128xf32, #tpu.memory_space<vmem>>, vector<1x16xf32>,
      %get3A_417 = vector.shape_cast %get3A_416 : vector<1x16xf32> to vector<16xf32>
      %add3A_418 = arith.addf %get3A_417, %select_n3A_35 : vector<16xf32>
      %swap3A = arith.index_cast %scan3A_413 : i32 to index
      %swap3A_419 = arith.constant 0 : index
      %swap3A_420 = tpu.vector_load %arg9[%swap3A, %swap3A_419] {strides = array<i32>} : memref<128x128xf32, #tpu.memory_space<vmem>>, vector<1x16xf32>,
      %swap3A_421 = vector.shape_cast %swap3A_420 : vector<1x16xf32> to vector<16xf32>
      %swap3A_422 = vector.shape_cast %add3A_418 : vector<16xf32> to vector<1x16xf32>
      tpu.vector_store %arg9[%swap3A, %swap3A_419], %swap3A_422 {strides = array<i32>} : memref<128x128xf32, #tpu.memory_space<vmem>>, vector<1x16xf32>,
      %get3A_423 = arith.index_cast %scan3A_413 : i32 to index
      %get3A_424 = arith.constant 16 : index
      %get3A_425 = tpu.vector_load %arg9[%get3A_423, %get3A_424] {strides = array<i32>} : memref<128x128xf32, #tpu.memory_space<vmem>>, vector<1x16xf32>,
      %get3A_426 = vector.shape_cast %get3A_425 : vector<1x16xf32> to vector<16xf32>
      %add3A_427 = arith.addf %get3A_426, %select_n3A_48 : vector<16xf32>
      %swap3A_428 = arith.index_cast %scan3A_413 : i32 to index
      %swap3A_429 = arith.constant 16 : index
      %swap3A_430 = tpu.vector_load %arg9[%swap3A_428, %swap3A_429] {strides = array<i32>} : memref<128x128xf32, #tpu.memory_space<vmem>>, vector<1x16xf32>,
      %swap3A_431 = vector.shape_cast %swap3A_430 : vector<1x16xf32> to vector<16xf32>
      %swap3A_432 = vector.shape_cast %add3A_427 : vector<16xf32> to vector<1x16xf32>
      tpu.vector_store %arg9[%swap3A_428, %swap3A_429], %swap3A_432 {strides = array<i32>} : memref<128x128xf32, #tpu.memory_space<vmem>>, vector<1x16xf32>,
      %get3A_433 = arith.index_cast %scan3A_413 : i32 to index
      %get3A_434 = arith.constant 32 : index
      %get3A_435 = tpu.vector_load %arg9[%get3A_433, %get3A_434] {strides = array<i32>} : memref<128x128xf32, #tpu.memory_space<vmem>>, vector<1x16xf32>,
      %get3A_436 = vector.shape_cast %get3A_435 : vector<1x16xf32> to vector<16xf32>
      %add3A_437 = arith.addf %get3A_436, %select_n3A_61 : vector<16xf32>
      %swap3A_438 = arith.index_cast %scan3A_413 : i32 to index
      %swap3A_439 = arith.constant 32 : index
      %swap3A_440 = tpu.vector_load %arg9[%swap3A_438, %swap3A_439] {strides = array<i32>} : memref<128x128xf32, #tpu.memory_space<vmem>>, vector<1x16xf32>,
      %swap3A_441 = vector.shape_cast %swap3A_440 : vector<1x16xf32> to vector<16xf32>
      %swap3A_442 = vector.shape_cast %add3A_437 : vector<16xf32> to vector<1x16xf32>
      tpu.vector_store %arg9[%swap3A_438, %swap3A_439], %swap3A_442 {strides = array<i32>} : memref<128x128xf32, #tpu.memory_space<vmem>>, vector<1x16xf32>,
      %get3A_443 = arith.index_cast %scan3A_413 : i32 to index
      %get3A_444 = arith.constant 48 : index
      %get3A_445 = tpu.vector_load %arg9[%get3A_443, %get3A_444] {strides = array<i32>} : memref<128x128xf32, #tpu.memory_space<vmem>>, vector<1x16xf32>,
      %get3A_446 = vector.shape_cast %get3A_445 : vector<1x16xf32> to vector<16xf32>
      %add3A_447 = arith.addf %get3A_446, %select_n3A_74 : vector<16xf32>
      %swap3A_448 = arith.index_cast %scan3A_413 : i32 to index
      %swap3A_449 = arith.constant 48 : index
      %swap3A_450 = tpu.vector_load %arg9[%swap3A_448, %swap3A_449] {strides = array<i32>} : memref<128x128xf32, #tpu.memory_space<vmem>>, vector<1x16xf32>,
      %swap3A_451 = vector.shape_cast %swap3A_450 : vector<1x16xf32> to vector<16xf32>
      %swap3A_452 = vector.shape_cast %add3A_447 : vector<16xf32> to vector<1x16xf32>
      tpu.vector_store %arg9[%swap3A_448, %swap3A_449], %swap3A_452 {strides = array<i32>} : memref<128x128xf32, #tpu.memory_space<vmem>>, vector<1x16xf32>,
      %get3A_453 = arith.index_cast %scan3A_413 : i32 to index
      %get3A_454 = arith.constant 64 : index
      %get3A_455 = tpu.vector_load %arg9[%get3A_453, %get3A_454] {strides = array<i32>} : memref<128x128xf32, #tpu.memory_space<vmem>>, vector<1x16xf32>,
      %get3A_456 = vector.shape_cast %get3A_455 : vector<1x16xf32> to vector<16xf32>
      %add3A_457 = arith.addf %get3A_456, %select_n3A_87 : vector<16xf32>
      %swap3A_458 = arith.index_cast %scan3A_413 : i32 to index
      %swap3A_459 = arith.constant 64 : index
      %swap3A_460 = tpu.vector_load %arg9[%swap3A_458, %swap3A_459] {strides = array<i32>} : memref<128x128xf32, #tpu.memory_space<vmem>>, vector<1x16xf32>,
      %swap3A_461 = vector.shape_cast %swap3A_460 : vector<1x16xf32> to vector<16xf32>
      %swap3A_462 = vector.shape_cast %add3A_457 : vector<16xf32> to vector<1x16xf32>
      tpu.vector_store %arg9[%swap3A_458, %swap3A_459], %swap3A_462 {strides = array<i32>} : memref<128x128xf32, #tpu.memory_space<vmem>>, vector<1x16xf32>,
      %get3A_463 = arith.index_cast %scan3A_413 : i32 to index
      %get3A_464 = arith.constant 80 : index
      %get3A_465 = tpu.vector_load %arg9[%get3A_463, %get3A_464] {strides = array<i32>} : memref<128x128xf32, #tpu.memory_space<vmem>>, vector<1x16xf32>,
      %get3A_466 = vector.shape_cast %get3A_465 : vector<1x16xf32> to vector<16xf32>
      %add3A_467 = arith.addf %get3A_466, %select_n3A_100 : vector<16xf32>
      %swap3A_468 = arith.index_cast %scan3A_413 : i32 to index
      %swap3A_469 = arith.constant 80 : index
      %swap3A_470 = tpu.vector_load %arg9[%swap3A_468, %swap3A_469] {strides = array<i32>} : memref<128x128xf32, #tpu.memory_space<vmem>>, vector<1x16xf32>,
      %swap3A_471 = vector.shape_cast %swap3A_470 : vector<1x16xf32> to vector<16xf32>
      %swap3A_472 = vector.shape_cast %add3A_467 : vector<16xf32> to vector<1x16xf32>
      tpu.vector_store %arg9[%swap3A_468, %swap3A_469], %swap3A_472 {strides = array<i32>} : memref<128x128xf32, #tpu.memory_space<vmem>>, vector<1x16xf32>,
      %get3A_473 = arith.index_cast %scan3A_413 : i32 to index
      %get3A_474 = arith.constant 96 : index
      %get3A_475 = tpu.vector_load %arg9[%get3A_473, %get3A_474] {strides = array<i32>} : memref<128x128xf32, #tpu.memory_space<vmem>>, vector<1x16xf32>,
      %get3A_476 = vector.shape_cast %get3A_475 : vector<1x16xf32> to vector<16xf32>
      %add3A_477 = arith.addf %get3A_476, %select_n3A_113 : vector<16xf32>
      %swap3A_478 = arith.index_cast %scan3A_413 : i32 to index
      %swap3A_479 = arith.constant 96 : index
      %swap3A_480 = tpu.vector_load %arg9[%swap3A_478, %swap3A_479] {strides = array<i32>} : memref<128x128xf32, #tpu.memory_space<vmem>>, vector<1x16xf32>,
      %swap3A_481 = vector.shape_cast %swap3A_480 : vector<1x16xf32> to vector<16xf32>
      %swap3A_482 = vector.shape_cast %add3A_477 : vector<16xf32> to vector<1x16xf32>
      tpu.vector_store %arg9[%swap3A_478, %swap3A_479], %swap3A_482 {strides = array<i32>} : memref<128x128xf32, #tpu.memory_space<vmem>>, vector<1x16xf32>,
      %get3A_483 = arith.index_cast %scan3A_413 : i32 to index
      %get3A_484 = arith.constant 112 : index
      %get3A_485 = tpu.vector_load %arg9[%get3A_483, %get3A_484] {strides = array<i32>} : memref<128x128xf32, #tpu.memory_space<vmem>>, vector<1x16xf32>,
      %get3A_486 = vector.shape_cast %get3A_485 : vector<1x16xf32> to vector<16xf32>
      %add3A_487 = arith.addf %get3A_486, %select_n3A_126 : vector<16xf32>
      %swap3A_488 = arith.index_cast %scan3A_413 : i32 to index
      %swap3A_489 = arith.constant 112 : index
      %swap3A_490 = tpu.vector_load %arg9[%swap3A_488, %swap3A_489] {strides = array<i32>} : memref<128x128xf32, #tpu.memory_space<vmem>>, vector<1x16xf32>,
      %swap3A_491 = vector.shape_cast %swap3A_490 : vector<1x16xf32> to vector<16xf32>
      %swap3A_492 = vector.shape_cast %add3A_487 : vector<16xf32> to vector<1x16xf32>
      tpu.vector_store %arg9[%swap3A_488, %swap3A_489], %swap3A_492 {strides = array<i32>} : memref<128x128xf32, #tpu.memory_space<vmem>>, vector<1x16xf32>,
    }
    %scan3A_134 = arith.constant 128 : i32
    %mul3A_135 = arith.constant 128 : i32
    %mul3A_136 = arith.muli %arg1, %mul3A_135 : i32
    "tpu.region"() ({
      %run_scoped3A = tpu.sem_alloc : memref<!tpu.dma_semaphore, #tpu.memory_space<semaphore_mem>>
      %dma_start3A_413 = arith.constant 0 : i32
      %dma_start3A_414 = tpu.memref_slice %arg13[%mul3A_136, %dma_start3A_413] : memref<2048x128xf32, #tpu.memory_space<vmem_shared>> -> memref<128x128xf32, #tpu.memory_space<vmem_shared>>
      %dma_start3A_415 = arith.constant 0 : i32
      %dma_start3A_416 = tpu.memref_slice %arg13[%mul3A_136, %dma_start3A_415] : memref<2048x128xf32, #tpu.memory_space<vmem_shared>> -> memref<128x128xf32, #tpu.memory_space<vmem_shared>>
      tpu.enqueue_dma source(%arg9 : memref<128x128xf32, #tpu.memory_space<vmem>>) target(%dma_start3A_416 : memref<128x128xf32, #tpu.memory_space<vmem_shared>>) target_semaphore(%run_scoped3A : memref<!tpu.dma_semaphore, #tpu.memory_space<semaphore_mem>>)
      %dma_wait3A_417 = arith.constant 0 : i32
      %dma_wait3A_418 = tpu.memref_slice %arg13[%mul3A_136, %dma_wait3A_417] : memref<2048x128xf32, #tpu.memory_space<vmem_shared>> -> memref<128x128xf32, #tpu.memory_space<vmem_shared>>
      %dma_wait3A_419 = arith.constant 0 : i32
      %dma_wait3A_420 = tpu.memref_slice %arg13[%mul3A_136, %dma_wait3A_419] : memref<2048x128xf32, #tpu.memory_space<vmem_shared>> -> memref<128x128xf32, #tpu.memory_space<vmem_shared>>
      tpu.wait_dma2 semaphore(%run_scoped3A : memref<!tpu.dma_semaphore, #tpu.memory_space<semaphore_mem>>) src(%arg9 : memref<128x128xf32, #tpu.memory_space<vmem>>) dst(%dma_wait3A_420 : memref<128x128xf32, #tpu.memory_space<vmem_shared>>)
      tpu.yield
    }) : () -> ()
    %dma_wait3A_137 = arith.constant 0 : i32
    %dma_wait3A_138 = tpu.memref_slice %arg2[%mul3A_20, %dma_wait3A_137] : memref<256x128xi32, #tpu.memory_space<hbm>> -> memref<8x128xi32, #tpu.memory_space<hbm>>
    %dma_wait3A_139 = arith.constant 0 : i32
    %dma_wait3A_140 = tpu.memref_slice %arg2[%mul3A_20, %dma_wait3A_139] : memref<256x128xi32, #tpu.memory_space<hbm>> -> memref<8x128xi32, #tpu.memory_space<hbm>>
    tpu.wait_dma2 semaphore(%arg15 : memref<!tpu.dma_semaphore, #tpu.memory_space<semaphore_mem>>) src(%dma_wait3A_140 : memref<8x128xi32, #tpu.memory_space<hbm>>) dst(%arg7 : memref<8x128xi32, #tpu.memory_space<vmem>>)
    %barrier3A = arith.constant 0 : index
    tpu.barrier barrier_id(%barrier3A)
    %add3A_141 = arith.constant 0 : i32
    %add3A_142 = arith.addi %mul3A_13, %add3A_141 : i32
    %dma_start3A_143 = arith.constant 0 : i32
    %dma_start3A_144 = tpu.memref_slice %arg13[%add3A_142, %dma_start3A_143] : memref<2048x128xf32, #tpu.memory_space<vmem_shared>> -> memref<128x128xf32, #tpu.memory_space<vmem_shared>>
    %dma_start3A_145 = arith.constant 0 : i32
    %dma_start3A_146 = tpu.memref_slice %arg13[%add3A_142, %dma_start3A_145] : memref<2048x128xf32, #tpu.memory_space<vmem_shared>> -> memref<128x128xf32, #tpu.memory_space<vmem_shared>>
    tpu.enqueue_dma source(%dma_start3A_146 : memref<128x128xf32, #tpu.memory_space<vmem_shared>>) target(%arg9 : memref<128x128xf32, #tpu.memory_space<vmem>>) target_semaphore(%arg14 : memref<!tpu.dma_semaphore, #tpu.memory_space<semaphore_mem>>)
    %add3A_147 = arith.constant 128 : i32
    %add3A_148 = arith.addi %mul3A_13, %add3A_147 : i32
    %dma_start3A_149 = arith.constant 0 : i32
    %dma_start3A_150 = tpu.memref_slice %arg13[%add3A_148, %dma_start3A_149] : memref<2048x128xf32, #tpu.memory_space<vmem_shared>> -> memref<128x128xf32, #tpu.memory_space<vmem_shared>>
    %dma_start3A_151 = arith.constant 0 : i32
    %dma_start3A_152 = tpu.memref_slice %arg13[%add3A_148, %dma_start3A_151] : memref<2048x128xf32, #tpu.memory_space<vmem_shared>> -> memref<128x128xf32, #tpu.memory_space<vmem_shared>>
    tpu.enqueue_dma source(%dma_start3A_152 : memref<128x128xf32, #tpu.memory_space<vmem_shared>>) target(%arg10 : memref<128x128xf32, #tpu.memory_space<vmem>>) target_semaphore(%arg15 : memref<!tpu.dma_semaphore, #tpu.memory_space<semaphore_mem>>)
    %add3A_153 = arith.constant 256 : i32
    %add3A_154 = arith.addi %mul3A_13, %add3A_153 : i32
    %dma_start3A_155 = arith.constant 0 : i32
    %dma_start3A_156 = tpu.memref_slice %arg13[%add3A_154, %dma_start3A_155] : memref<2048x128xf32, #tpu.memory_space<vmem_shared>> -> memref<128x128xf32, #tpu.memory_space<vmem_shared>>
    %dma_start3A_157 = arith.constant 0 : i32
    %dma_start3A_158 = tpu.memref_slice %arg13[%add3A_154, %dma_start3A_157] : memref<2048x128xf32, #tpu.memory_space<vmem_shared>> -> memref<128x128xf32, #tpu.memory_space<vmem_shared>>
    tpu.enqueue_dma source(%dma_start3A_158 : memref<128x128xf32, #tpu.memory_space<vmem_shared>>) target(%arg11 : memref<128x128xf32, #tpu.memory_space<vmem>>) target_semaphore(%arg16 : memref<!tpu.dma_semaphore, #tpu.memory_space<semaphore_mem>>)
    %dma_wait3A_159 = arith.constant 0 : i32
    %dma_wait3A_160 = tpu.memref_slice %arg13[%add3A_142, %dma_wait3A_159] : memref<2048x128xf32, #tpu.memory_space<vmem_shared>> -> memref<128x128xf32, #tpu.memory_space<vmem_shared>>
    %dma_wait3A_161 = arith.constant 0 : i32
    %dma_wait3A_162 = tpu.memref_slice %arg13[%add3A_142, %dma_wait3A_161] : memref<2048x128xf32, #tpu.memory_space<vmem_shared>> -> memref<128x128xf32, #tpu.memory_space<vmem_shared>>
    tpu.wait_dma2 semaphore(%arg14 : memref<!tpu.dma_semaphore, #tpu.memory_space<semaphore_mem>>) src(%dma_wait3A_162 : memref<128x128xf32, #tpu.memory_space<vmem_shared>>) dst(%arg9 : memref<128x128xf32, #tpu.memory_space<vmem>>)
    %dma_start3A_163 = arith.constant 0 : i32
    %dma_start3A_164 = arith.constant 0 : i32
    %dma_start3A_165 = tpu.memref_slice %arg7[%dma_start3A_163, %dma_start3A_164] : memref<8x128xi32, #tpu.memory_space<vmem>> -> memref<1x128xi32, #tpu.memory_space<vmem>>
    %dma_start3A_166 = tpu.memref_squeeze %dma_start3A_165 : memref<1x128xi32, #tpu.memory_space<vmem>> -> memref<128xi32, #tpu.memory_space<vmem>>
    %dma_start3A_167 = arith.constant 0 : i32
    %dma_start3A_168 = arith.constant 0 : i32
    %dma_start3A_169 = tpu.memref_slice %arg3[%dma_start3A_167, %dma_start3A_168] : memref<100000x128xf32, #tpu.memory_space<hbm>> -> memref<100000x128xf32, #tpu.memory_space<hbm>>
    tpu.enqueue_indirect_dma source(%dma_start3A_169 : memref<100000x128xf32, #tpu.memory_space<hbm>>) target(%arg9 : memref<128x128xf32, #tpu.memory_space<vmem>>) offsets(%dma_start3A_166 : memref<128xi32, #tpu.memory_space<vmem>>) semaphore(%arg18 : memref<!tpu.dma_semaphore, #tpu.memory_space<semaphore_mem>>) {add = true}
    %add3A_170 = arith.constant 384 : i32
    %add3A_171 = arith.addi %mul3A_13, %add3A_170 : i32
    %dma_start3A_172 = arith.constant 0 : i32
    %dma_start3A_173 = tpu.memref_slice %arg13[%add3A_171, %dma_start3A_172] : memref<2048x128xf32, #tpu.memory_space<vmem_shared>> -> memref<128x128xf32, #tpu.memory_space<vmem_shared>>
    %dma_start3A_174 = arith.constant 0 : i32
    %dma_start3A_175 = tpu.memref_slice %arg13[%add3A_171, %dma_start3A_174] : memref<2048x128xf32, #tpu.memory_space<vmem_shared>> -> memref<128x128xf32, #tpu.memory_space<vmem_shared>>
    tpu.enqueue_dma source(%dma_start3A_175 : memref<128x128xf32, #tpu.memory_space<vmem_shared>>) target(%arg12 : memref<128x128xf32, #tpu.memory_space<vmem>>) target_semaphore(%arg17 : memref<!tpu.dma_semaphore, #tpu.memory_space<semaphore_mem>>)
    %dma_wait3A_176 = arith.constant 0 : i32
    %dma_wait3A_177 = tpu.memref_slice %arg13[%add3A_148, %dma_wait3A_176] : memref<2048x128xf32, #tpu.memory_space<vmem_shared>> -> memref<128x128xf32, #tpu.memory_space<vmem_shared>>
    %dma_wait3A_178 = arith.constant 0 : i32
    %dma_wait3A_179 = tpu.memref_slice %arg13[%add3A_148, %dma_wait3A_178] : memref<2048x128xf32, #tpu.memory_space<vmem_shared>> -> memref<128x128xf32, #tpu.memory_space<vmem_shared>>
    tpu.wait_dma2 semaphore(%arg15 : memref<!tpu.dma_semaphore, #tpu.memory_space<semaphore_mem>>) src(%dma_wait3A_179 : memref<128x128xf32, #tpu.memory_space<vmem_shared>>) dst(%arg10 : memref<128x128xf32, #tpu.memory_space<vmem>>)
    %dma_start3A_180 = arith.constant 1 : i32
    %dma_start3A_181 = arith.constant 0 : i32
    %dma_start3A_182 = tpu.memref_slice %arg7[%dma_start3A_180, %dma_start3A_181] : memref<8x128xi32, #tpu.memory_space<vmem>> -> memref<1x128xi32, #tpu.memory_space<vmem>>
    %dma_start3A_183 = tpu.memref_squeeze %dma_start3A_182 : memref<1x128xi32, #tpu.memory_space<vmem>> -> memref<128xi32, #tpu.memory_space<vmem>>
    %dma_start3A_184 = arith.constant 0 : i32
    %dma_start3A_185 = arith.constant 0 : i32
    %dma_start3A_186 = tpu.memref_slice %arg3[%dma_start3A_184, %dma_start3A_185] : memref<100000x128xf32, #tpu.memory_space<hbm>> -> memref<100000x128xf32, #tpu.memory_space<hbm>>
    tpu.enqueue_indirect_dma source(%dma_start3A_186 : memref<100000x128xf32, #tpu.memory_space<hbm>>) target(%arg10 : memref<128x128xf32, #tpu.memory_space<vmem>>) offsets(%dma_start3A_183 : memref<128xi32, #tpu.memory_space<vmem>>) semaphore(%arg19 : memref<!tpu.dma_semaphore, #tpu.memory_space<semaphore_mem>>) {add = true}
    %dma_wait3A_187 = arith.constant 0 : i32
    %dma_wait3A_188 = arith.constant 0 : i32
    %dma_wait3A_189 = tpu.memref_slice %arg7[%dma_wait3A_187, %dma_wait3A_188] : memref<8x128xi32, #tpu.memory_space<vmem>> -> memref<1x128xi32, #tpu.memory_space<vmem>>
    %dma_wait3A_190 = tpu.memref_squeeze %dma_wait3A_189 : memref<1x128xi32, #tpu.memory_space<vmem>> -> memref<128xi32, #tpu.memory_space<vmem>>
    %dma_wait3A_191 = arith.constant 0 : i32
    %dma_wait3A_192 = arith.constant 0 : i32
    %dma_wait3A_193 = tpu.memref_slice %arg3[%dma_wait3A_191, %dma_wait3A_192] : memref<100000x128xf32, #tpu.memory_space<hbm>> -> memref<100000x128xf32, #tpu.memory_space<hbm>>
    tpu.wait_indirect_dma semaphore(%arg18 : memref<!tpu.dma_semaphore, #tpu.memory_space<semaphore_mem>>) src(%dma_wait3A_193 : memref<100000x128xf32, #tpu.memory_space<hbm>>) dst(%arg9 : memref<128x128xf32, #tpu.memory_space<vmem>>)
    %add3A_194 = arith.constant 0 : i32
    %add3A_195 = arith.addi %mul3A_2, %add3A_194 : i32
    %dma_start3A_196 = arith.constant 0 : i32
    %dma_start3A_197 = tpu.memref_slice %arg6[%add3A_195, %dma_start3A_196] : memref<32768x128xf32, #tpu.memory_space<hbm>> -> memref<128x128xf32, #tpu.memory_space<hbm>>
    %dma_start3A_198 = arith.constant 0 : i32
    %dma_start3A_199 = tpu.memref_slice %arg6[%add3A_195, %dma_start3A_198] : memref<32768x128xf32, #tpu.memory_space<hbm>> -> memref<128x128xf32, #tpu.memory_space<hbm>>
    tpu.enqueue_dma source(%arg9 : memref<128x128xf32, #tpu.memory_space<vmem>>) target(%dma_start3A_199 : memref<128x128xf32, #tpu.memory_space<hbm>>) target_semaphore(%arg22 : memref<!tpu.dma_semaphore, #tpu.memory_space<semaphore_mem>>)
    %dma_wait3A_200 = arith.constant 0 : i32
    %dma_wait3A_201 = tpu.memref_slice %arg6[%add3A_195, %dma_wait3A_200] : memref<32768x128xf32, #tpu.memory_space<hbm>> -> memref<128x128xf32, #tpu.memory_space<hbm>>
    %dma_wait3A_202 = arith.constant 0 : i32
    %dma_wait3A_203 = tpu.memref_slice %arg6[%add3A_195, %dma_wait3A_202] : memref<32768x128xf32, #tpu.memory_space<hbm>> -> memref<128x128xf32, #tpu.memory_space<hbm>>
    tpu.wait_dma2 semaphore(%arg22 : memref<!tpu.dma_semaphore, #tpu.memory_space<semaphore_mem>>) src(%arg9 : memref<128x128xf32, #tpu.memory_space<vmem>>) dst(%dma_wait3A_203 : memref<128x128xf32, #tpu.memory_space<hbm>>)
    %add3A_204 = arith.constant 512 : i32
    %add3A_205 = arith.addi %mul3A_13, %add3A_204 : i32
    %dma_start3A_206 = arith.constant 0 : i32
    %dma_start3A_207 = tpu.memref_slice %arg13[%add3A_205, %dma_start3A_206] : memref<2048x128xf32, #tpu.memory_space<vmem_shared>> -> memref<128x128xf32, #tpu.memory_space<vmem_shared>>
    %dma_start3A_208 = arith.constant 0 : i32
    %dma_start3A_209 = tpu.memref_slice %arg13[%add3A_205, %dma_start3A_208] : memref<2048x128xf32, #tpu.memory_space<vmem_shared>> -> memref<128x128xf32, #tpu.memory_space<vmem_shared>>
    tpu.enqueue_dma source(%dma_start3A_209 : memref<128x128xf32, #tpu.memory_space<vmem_shared>>) target(%arg9 : memref<128x128xf32, #tpu.memory_space<vmem>>) target_semaphore(%arg14 : memref<!tpu.dma_semaphore, #tpu.memory_space<semaphore_mem>>)
    %dma_wait3A_210 = arith.constant 0 : i32
    %dma_wait3A_211 = tpu.memref_slice %arg13[%add3A_154, %dma_wait3A_210] : memref<2048x128xf32, #tpu.memory_space<vmem_shared>> -> memref<128x128xf32, #tpu.memory_space<vmem_shared>>
    %dma_wait3A_212 = arith.constant 0 : i32
    %dma_wait3A_213 = tpu.memref_slice %arg13[%add3A_154, %dma_wait3A_212] : memref<2048x128xf32, #tpu.memory_space<vmem_shared>> -> memref<128x128xf32, #tpu.memory_space<vmem_shared>>
    tpu.wait_dma2 semaphore(%arg16 : memref<!tpu.dma_semaphore, #tpu.memory_space<semaphore_mem>>) src(%dma_wait3A_213 : memref<128x128xf32, #tpu.memory_space<vmem_shared>>) dst(%arg11 : memref<128x128xf32, #tpu.memory_space<vmem>>)
    %dma_start3A_214 = arith.constant 2 : i32
    %dma_start3A_215 = arith.constant 0 : i32
    %dma_start3A_216 = tpu.memref_slice %arg7[%dma_start3A_214, %dma_start3A_215] : memref<8x128xi32, #tpu.memory_space<vmem>> -> memref<1x128xi32, #tpu.memory_space<vmem>>
    %dma_start3A_217 = tpu.memref_squeeze %dma_start3A_216 : memref<1x128xi32, #tpu.memory_space<vmem>> -> memref<128xi32, #tpu.memory_space<vmem>>
    %dma_start3A_218 = arith.constant 0 : i32
    %dma_start3A_219 = arith.constant 0 : i32
    %dma_start3A_220 = tpu.memref_slice %arg3[%dma_start3A_218, %dma_start3A_219] : memref<100000x128xf32, #tpu.memory_space<hbm>> -> memref<100000x128xf32, #tpu.memory_space<hbm>>
    tpu.enqueue_indirect_dma source(%dma_start3A_220 : memref<100000x128xf32, #tpu.memory_space<hbm>>) target(%arg11 : memref<128x128xf32, #tpu.memory_space<vmem>>) offsets(%dma_start3A_217 : memref<128xi32, #tpu.memory_space<vmem>>) semaphore(%arg20 : memref<!tpu.dma_semaphore, #tpu.memory_space<semaphore_mem>>) {add = true}
    %dma_wait3A_221 = arith.constant 1 : i32
    %dma_wait3A_222 = arith.constant 0 : i32
    %dma_wait3A_223 = tpu.memref_slice %arg7[%dma_wait3A_221, %dma_wait3A_222] : memref<8x128xi32, #tpu.memory_space<vmem>> -> memref<1x128xi32, #tpu.memory_space<vmem>>
    %dma_wait3A_224 = tpu.memref_squeeze %dma_wait3A_223 : memref<1x128xi32, #tpu.memory_space<vmem>> -> memref<128xi32, #tpu.memory_space<vmem>>
    %dma_wait3A_225 = arith.constant 0 : i32
    %dma_wait3A_226 = arith.constant 0 : i32
    %dma_wait3A_227 = tpu.memref_slice %arg3[%dma_wait3A_225, %dma_wait3A_226] : memref<100000x128xf32, #tpu.memory_space<hbm>> -> memref<100000x128xf32, #tpu.memory_space<hbm>>
    tpu.wait_indirect_dma semaphore(%arg19 : memref<!tpu.dma_semaphore, #tpu.memory_space<semaphore_mem>>) src(%dma_wait3A_227 : memref<100000x128xf32, #tpu.memory_space<hbm>>) dst(%arg10 : memref<128x128xf32, #tpu.memory_space<vmem>>)
    %add3A_228 = arith.constant 128 : i32
    %add3A_229 = arith.addi %mul3A_2, %add3A_228 : i32
    %dma_start3A_230 = arith.constant 0 : i32
    %dma_start3A_231 = tpu.memref_slice %arg6[%add3A_229, %dma_start3A_230] : memref<32768x128xf32, #tpu.memory_space<hbm>> -> memref<128x128xf32, #tpu.memory_space<hbm>>
    %dma_start3A_232 = arith.constant 0 : i32
    %dma_start3A_233 = tpu.memref_slice %arg6[%add3A_229, %dma_start3A_232] : memref<32768x128xf32, #tpu.memory_space<hbm>> -> memref<128x128xf32, #tpu.memory_space<hbm>>
    tpu.enqueue_dma source(%arg10 : memref<128x128xf32, #tpu.memory_space<vmem>>) target(%dma_start3A_233 : memref<128x128xf32, #tpu.memory_space<hbm>>) target_semaphore(%arg23 : memref<!tpu.dma_semaphore, #tpu.memory_space<semaphore_mem>>)
    %dma_wait3A_234 = arith.constant 0 : i32
    %dma_wait3A_235 = tpu.memref_slice %arg6[%add3A_229, %dma_wait3A_234] : memref<32768x128xf32, #tpu.memory_space<hbm>> -> memref<128x128xf32, #tpu.memory_space<hbm>>
    %dma_wait3A_236 = arith.constant 0 : i32
    %dma_wait3A_237 = tpu.memref_slice %arg6[%add3A_229, %dma_wait3A_236] : memref<32768x128xf32, #tpu.memory_space<hbm>> -> memref<128x128xf32, #tpu.memory_space<hbm>>
    tpu.wait_dma2 semaphore(%arg23 : memref<!tpu.dma_semaphore, #tpu.memory_space<semaphore_mem>>) src(%arg10 : memref<128x128xf32, #tpu.memory_space<vmem>>) dst(%dma_wait3A_237 : memref<128x128xf32, #tpu.memory_space<hbm>>)
    %add3A_238 = arith.constant 640 : i32
    %add3A_239 = arith.addi %mul3A_13, %add3A_238 : i32
    %dma_start3A_240 = arith.constant 0 : i32
    %dma_start3A_241 = tpu.memref_slice %arg13[%add3A_239, %dma_start3A_240] : memref<2048x128xf32, #tpu.memory_space<vmem_shared>> -> memref<128x128xf32, #tpu.memory_space<vmem_shared>>
    %dma_start3A_242 = arith.constant 0 : i32
    %dma_start3A_243 = tpu.memref_slice %arg13[%add3A_239, %dma_start3A_242] : memref<2048x128xf32, #tpu.memory_space<vmem_shared>> -> memref<128x128xf32, #tpu.memory_space<vmem_shared>>
    tpu.enqueue_dma source(%dma_start3A_243 : memref<128x128xf32, #tpu.memory_space<vmem_shared>>) target(%arg10 : memref<128x128xf32, #tpu.memory_space<vmem>>) target_semaphore(%arg15 : memref<!tpu.dma_semaphore, #tpu.memory_space<semaphore_mem>>)
    %dma_wait3A_244 = arith.constant 0 : i32
    %dma_wait3A_245 = tpu.memref_slice %arg13[%add3A_171, %dma_wait3A_244] : memref<2048x128xf32, #tpu.memory_space<vmem_shared>> -> memref<128x128xf32, #tpu.memory_space<vmem_shared>>
    %dma_wait3A_246 = arith.constant 0 : i32
    %dma_wait3A_247 = tpu.memref_slice %arg13[%add3A_171, %dma_wait3A_246] : memref<2048x128xf32, #tpu.memory_space<vmem_shared>> -> memref<128x128xf32, #tpu.memory_space<vmem_shared>>
    tpu.wait_dma2 semaphore(%arg17 : memref<!tpu.dma_semaphore, #tpu.memory_space<semaphore_mem>>) src(%dma_wait3A_247 : memref<128x128xf32, #tpu.memory_space<vmem_shared>>) dst(%arg12 : memref<128x128xf32, #tpu.memory_space<vmem>>)
    %dma_start3A_248 = arith.constant 3 : i32
    %dma_start3A_249 = arith.constant 0 : i32
    %dma_start3A_250 = tpu.memref_slice %arg7[%dma_start3A_248, %dma_start3A_249] : memref<8x128xi32, #tpu.memory_space<vmem>> -> memref<1x128xi32, #tpu.memory_space<vmem>>
    %dma_start3A_251 = tpu.memref_squeeze %dma_start3A_250 : memref<1x128xi32, #tpu.memory_space<vmem>> -> memref<128xi32, #tpu.memory_space<vmem>>
    %dma_start3A_252 = arith.constant 0 : i32
    %dma_start3A_253 = arith.constant 0 : i32
    %dma_start3A_254 = tpu.memref_slice %arg3[%dma_start3A_252, %dma_start3A_253] : memref<100000x128xf32, #tpu.memory_space<hbm>> -> memref<100000x128xf32, #tpu.memory_space<hbm>>
    tpu.enqueue_indirect_dma source(%dma_start3A_254 : memref<100000x128xf32, #tpu.memory_space<hbm>>) target(%arg12 : memref<128x128xf32, #tpu.memory_space<vmem>>) offsets(%dma_start3A_251 : memref<128xi32, #tpu.memory_space<vmem>>) semaphore(%arg21 : memref<!tpu.dma_semaphore, #tpu.memory_space<semaphore_mem>>) {add = true}
    %dma_wait3A_255 = arith.constant 2 : i32
    %dma_wait3A_256 = arith.constant 0 : i32
    %dma_wait3A_257 = tpu.memref_slice %arg7[%dma_wait3A_255, %dma_wait3A_256] : memref<8x128xi32, #tpu.memory_space<vmem>> -> memref<1x128xi32, #tpu.memory_space<vmem>>
    %dma_wait3A_258 = tpu.memref_squeeze %dma_wait3A_257 : memref<1x128xi32, #tpu.memory_space<vmem>> -> memref<128xi32, #tpu.memory_space<vmem>>
    %dma_wait3A_259 = arith.constant 0 : i32
    %dma_wait3A_260 = arith.constant 0 : i32
    %dma_wait3A_261 = tpu.memref_slice %arg3[%dma_wait3A_259, %dma_wait3A_260] : memref<100000x128xf32, #tpu.memory_space<hbm>> -> memref<100000x128xf32, #tpu.memory_space<hbm>>
    tpu.wait_indirect_dma semaphore(%arg20 : memref<!tpu.dma_semaphore, #tpu.memory_space<semaphore_mem>>) src(%dma_wait3A_261 : memref<100000x128xf32, #tpu.memory_space<hbm>>) dst(%arg11 : memref<128x128xf32, #tpu.memory_space<vmem>>)
    %add3A_262 = arith.constant 256 : i32
    %add3A_263 = arith.addi %mul3A_2, %add3A_262 : i32
    %dma_start3A_264 = arith.constant 0 : i32
    %dma_start3A_265 = tpu.memref_slice %arg6[%add3A_263, %dma_start3A_264] : memref<32768x128xf32, #tpu.memory_space<hbm>> -> memref<128x128xf32, #tpu.memory_space<hbm>>
    %dma_start3A_266 = arith.constant 0 : i32
    %dma_start3A_267 = tpu.memref_slice %arg6[%add3A_263, %dma_start3A_266] : memref<32768x128xf32, #tpu.memory_space<hbm>> -> memref<128x128xf32, #tpu.memory_space<hbm>>
    tpu.enqueue_dma source(%arg11 : memref<128x128xf32, #tpu.memory_space<vmem>>) target(%dma_start3A_267 : memref<128x128xf32, #tpu.memory_space<hbm>>) target_semaphore(%arg24 : memref<!tpu.dma_semaphore, #tpu.memory_space<semaphore_mem>>)
    %dma_wait3A_268 = arith.constant 0 : i32
    %dma_wait3A_269 = tpu.memref_slice %arg6[%add3A_263, %dma_wait3A_268] : memref<32768x128xf32, #tpu.memory_space<hbm>> -> memref<128x128xf32, #tpu.memory_space<hbm>>
    %dma_wait3A_270 = arith.constant 0 : i32
    %dma_wait3A_271 = tpu.memref_slice %arg6[%add3A_263, %dma_wait3A_270] : memref<32768x128xf32, #tpu.memory_space<hbm>> -> memref<128x128xf32, #tpu.memory_space<hbm>>
    tpu.wait_dma2 semaphore(%arg24 : memref<!tpu.dma_semaphore, #tpu.memory_space<semaphore_mem>>) src(%arg11 : memref<128x128xf32, #tpu.memory_space<vmem>>) dst(%dma_wait3A_271 : memref<128x128xf32, #tpu.memory_space<hbm>>)
    %add3A_272 = arith.constant 768 : i32
    %add3A_273 = arith.addi %mul3A_13, %add3A_272 : i32
    %dma_start3A_274 = arith.constant 0 : i32
    %dma_start3A_275 = tpu.memref_slice %arg13[%add3A_273, %dma_start3A_274] : memref<2048x128xf32, #tpu.memory_space<vmem_shared>> -> memref<128x128xf32, #tpu.memory_space<vmem_shared>>
    %dma_start3A_276 = arith.constant 0 : i32
    %dma_start3A_277 = tpu.memref_slice %arg13[%add3A_273, %dma_start3A_276] : memref<2048x128xf32, #tpu.memory_space<vmem_shared>> -> memref<128x128xf32, #tpu.memory_space<vmem_shared>>
    tpu.enqueue_dma source(%dma_start3A_277 : memref<128x128xf32, #tpu.memory_space<vmem_shared>>) target(%arg11 : memref<128x128xf32, #tpu.memory_space<vmem>>) target_semaphore(%arg16 : memref<!tpu.dma_semaphore, #tpu.memory_space<semaphore_mem>>)
    %dma_wait3A_278 = arith.constant 0 : i32
    %dma_wait3A_279 = tpu.memref_slice %arg13[%add3A_205, %dma_wait3A_278] : memref<2048x128xf32, #tpu.memory_space<vmem_shared>> -> memref<128x128xf32, #tpu.memory_space<vmem_shared>>
    %dma_wait3A_280 = arith.constant 0 : i32
    %dma_wait3A_281 = tpu.memref_slice %arg13[%add3A_205, %dma_wait3A_280] : memref<2048x128xf32, #tpu.memory_space<vmem_shared>> -> memref<128x128xf32, #tpu.memory_space<vmem_shared>>
    tpu.wait_dma2 semaphore(%arg14 : memref<!tpu.dma_semaphore, #tpu.memory_space<semaphore_mem>>) src(%dma_wait3A_281 : memref<128x128xf32, #tpu.memory_space<vmem_shared>>) dst(%arg9 : memref<128x128xf32, #tpu.memory_space<vmem>>)
    %dma_start3A_282 = arith.constant 4 : i32
    %dma_start3A_283 = arith.constant 0 : i32
    %dma_start3A_284 = tpu.memref_slice %arg7[%dma_start3A_282, %dma_start3A_283] : memref<8x128xi32, #tpu.memory_space<vmem>> -> memref<1x128xi32, #tpu.memory_space<vmem>>
    %dma_start3A_285 = tpu.memref_squeeze %dma_start3A_284 : memref<1x128xi32, #tpu.memory_space<vmem>> -> memref<128xi32, #tpu.memory_space<vmem>>
    %dma_start3A_286 = arith.constant 0 : i32
    %dma_start3A_287 = arith.constant 0 : i32
    %dma_start3A_288 = tpu.memref_slice %arg3[%dma_start3A_286, %dma_start3A_287] : memref<100000x128xf32, #tpu.memory_space<hbm>> -> memref<100000x128xf32, #tpu.memory_space<hbm>>
    tpu.enqueue_indirect_dma source(%dma_start3A_288 : memref<100000x128xf32, #tpu.memory_space<hbm>>) target(%arg9 : memref<128x128xf32, #tpu.memory_space<vmem>>) offsets(%dma_start3A_285 : memref<128xi32, #tpu.memory_space<vmem>>) semaphore(%arg18 : memref<!tpu.dma_semaphore, #tpu.memory_space<semaphore_mem>>) {add = true}
    %dma_wait3A_289 = arith.constant 3 : i32
    %dma_wait3A_290 = arith.constant 0 : i32
    %dma_wait3A_291 = tpu.memref_slice %arg7[%dma_wait3A_289, %dma_wait3A_290] : memref<8x128xi32, #tpu.memory_space<vmem>> -> memref<1x128xi32, #tpu.memory_space<vmem>>
    %dma_wait3A_292 = tpu.memref_squeeze %dma_wait3A_291 : memref<1x128xi32, #tpu.memory_space<vmem>> -> memref<128xi32, #tpu.memory_space<vmem>>
    %dma_wait3A_293 = arith.constant 0 : i32
    %dma_wait3A_294 = arith.constant 0 : i32
    %dma_wait3A_295 = tpu.memref_slice %arg3[%dma_wait3A_293, %dma_wait3A_294] : memref<100000x128xf32, #tpu.memory_space<hbm>> -> memref<100000x128xf32, #tpu.memory_space<hbm>>
    tpu.wait_indirect_dma semaphore(%arg21 : memref<!tpu.dma_semaphore, #tpu.memory_space<semaphore_mem>>) src(%dma_wait3A_295 : memref<100000x128xf32, #tpu.memory_space<hbm>>) dst(%arg12 : memref<128x128xf32, #tpu.memory_space<vmem>>)
    %add3A_296 = arith.constant 384 : i32
    %add3A_297 = arith.addi %mul3A_2, %add3A_296 : i32
    %dma_start3A_298 = arith.constant 0 : i32
    %dma_start3A_299 = tpu.memref_slice %arg6[%add3A_297, %dma_start3A_298] : memref<32768x128xf32, #tpu.memory_space<hbm>> -> memref<128x128xf32, #tpu.memory_space<hbm>>
    %dma_start3A_300 = arith.constant 0 : i32
    %dma_start3A_301 = tpu.memref_slice %arg6[%add3A_297, %dma_start3A_300] : memref<32768x128xf32, #tpu.memory_space<hbm>> -> memref<128x128xf32, #tpu.memory_space<hbm>>
    tpu.enqueue_dma source(%arg12 : memref<128x128xf32, #tpu.memory_space<vmem>>) target(%dma_start3A_301 : memref<128x128xf32, #tpu.memory_space<hbm>>) target_semaphore(%arg25 : memref<!tpu.dma_semaphore, #tpu.memory_space<semaphore_mem>>)
    %dma_wait3A_302 = arith.constant 0 : i32
    %dma_wait3A_303 = tpu.memref_slice %arg6[%add3A_297, %dma_wait3A_302] : memref<32768x128xf32, #tpu.memory_space<hbm>> -> memref<128x128xf32, #tpu.memory_space<hbm>>
    %dma_wait3A_304 = arith.constant 0 : i32
    %dma_wait3A_305 = tpu.memref_slice %arg6[%add3A_297, %dma_wait3A_304] : memref<32768x128xf32, #tpu.memory_space<hbm>> -> memref<128x128xf32, #tpu.memory_space<hbm>>
    tpu.wait_dma2 semaphore(%arg25 : memref<!tpu.dma_semaphore, #tpu.memory_space<semaphore_mem>>) src(%arg12 : memref<128x128xf32, #tpu.memory_space<vmem>>) dst(%dma_wait3A_305 : memref<128x128xf32, #tpu.memory_space<hbm>>)
    %add3A_306 = arith.constant 896 : i32
    %add3A_307 = arith.addi %mul3A_13, %add3A_306 : i32
    %dma_start3A_308 = arith.constant 0 : i32
    %dma_start3A_309 = tpu.memref_slice %arg13[%add3A_307, %dma_start3A_308] : memref<2048x128xf32, #tpu.memory_space<vmem_shared>> -> memref<128x128xf32, #tpu.memory_space<vmem_shared>>
    %dma_start3A_310 = arith.constant 0 : i32
    %dma_start3A_311 = tpu.memref_slice %arg13[%add3A_307, %dma_start3A_310] : memref<2048x128xf32, #tpu.memory_space<vmem_shared>> -> memref<128x128xf32, #tpu.memory_space<vmem_shared>>
    tpu.enqueue_dma source(%dma_start3A_311 : memref<128x128xf32, #tpu.memory_space<vmem_shared>>) target(%arg12 : memref<128x128xf32, #tpu.memory_space<vmem>>) target_semaphore(%arg17 : memref<!tpu.dma_semaphore, #tpu.memory_space<semaphore_mem>>)
    %dma_wait3A_312 = arith.constant 0 : i32
    %dma_wait3A_313 = tpu.memref_slice %arg13[%add3A_239, %dma_wait3A_312] : memref<2048x128xf32, #tpu.memory_space<vmem_shared>> -> memref<128x128xf32, #tpu.memory_space<vmem_shared>>
    %dma_wait3A_314 = arith.constant 0 : i32
    %dma_wait3A_315 = tpu.memref_slice %arg13[%add3A_239, %dma_wait3A_314] : memref<2048x128xf32, #tpu.memory_space<vmem_shared>> -> memref<128x128xf32, #tpu.memory_space<vmem_shared>>
    tpu.wait_dma2 semaphore(%arg15 : memref<!tpu.dma_semaphore, #tpu.memory_space<semaphore_mem>>) src(%dma_wait3A_315 : memref<128x128xf32, #tpu.memory_space<vmem_shared>>) dst(%arg10 : memref<128x128xf32, #tpu.memory_space<vmem>>)
    %dma_start3A_316 = arith.constant 5 : i32
    %dma_start3A_317 = arith.constant 0 : i32
    %dma_start3A_318 = tpu.memref_slice %arg7[%dma_start3A_316, %dma_start3A_317] : memref<8x128xi32, #tpu.memory_space<vmem>> -> memref<1x128xi32, #tpu.memory_space<vmem>>
    %dma_start3A_319 = tpu.memref_squeeze %dma_start3A_318 : memref<1x128xi32, #tpu.memory_space<vmem>> -> memref<128xi32, #tpu.memory_space<vmem>>
    %dma_start3A_320 = arith.constant 0 : i32
    %dma_start3A_321 = arith.constant 0 : i32
    %dma_start3A_322 = tpu.memref_slice %arg3[%dma_start3A_320, %dma_start3A_321] : memref<100000x128xf32, #tpu.memory_space<hbm>> -> memref<100000x128xf32, #tpu.memory_space<hbm>>
    tpu.enqueue_indirect_dma source(%dma_start3A_322 : memref<100000x128xf32, #tpu.memory_space<hbm>>) target(%arg10 : memref<128x128xf32, #tpu.memory_space<vmem>>) offsets(%dma_start3A_319 : memref<128xi32, #tpu.memory_space<vmem>>) semaphore(%arg19 : memref<!tpu.dma_semaphore, #tpu.memory_space<semaphore_mem>>) {add = true}
    %dma_wait3A_323 = arith.constant 4 : i32
    %dma_wait3A_324 = arith.constant 0 : i32
    %dma_wait3A_325 = tpu.memref_slice %arg7[%dma_wait3A_323, %dma_wait3A_324] : memref<8x128xi32, #tpu.memory_space<vmem>> -> memref<1x128xi32, #tpu.memory_space<vmem>>
    %dma_wait3A_326 = tpu.memref_squeeze %dma_wait3A_325 : memref<1x128xi32, #tpu.memory_space<vmem>> -> memref<128xi32, #tpu.memory_space<vmem>>
    %dma_wait3A_327 = arith.constant 0 : i32
    %dma_wait3A_328 = arith.constant 0 : i32
    %dma_wait3A_329 = tpu.memref_slice %arg3[%dma_wait3A_327, %dma_wait3A_328] : memref<100000x128xf32, #tpu.memory_space<hbm>> -> memref<100000x128xf32, #tpu.memory_space<hbm>>
    tpu.wait_indirect_dma semaphore(%arg18 : memref<!tpu.dma_semaphore, #tpu.memory_space<semaphore_mem>>) src(%dma_wait3A_329 : memref<100000x128xf32, #tpu.memory_space<hbm>>) dst(%arg9 : memref<128x128xf32, #tpu.memory_space<vmem>>)
    %add3A_330 = arith.constant 512 : i32
    %add3A_331 = arith.addi %mul3A_2, %add3A_330 : i32
    %dma_start3A_332 = arith.constant 0 : i32
    %dma_start3A_333 = tpu.memref_slice %arg6[%add3A_331, %dma_start3A_332] : memref<32768x128xf32, #tpu.memory_space<hbm>> -> memref<128x128xf32, #tpu.memory_space<hbm>>
    %dma_start3A_334 = arith.constant 0 : i32
    %dma_start3A_335 = tpu.memref_slice %arg6[%add3A_331, %dma_start3A_334] : memref<32768x128xf32, #tpu.memory_space<hbm>> -> memref<128x128xf32, #tpu.memory_space<hbm>>
    tpu.enqueue_dma source(%arg9 : memref<128x128xf32, #tpu.memory_space<vmem>>) target(%dma_start3A_335 : memref<128x128xf32, #tpu.memory_space<hbm>>) target_semaphore(%arg22 : memref<!tpu.dma_semaphore, #tpu.memory_space<semaphore_mem>>)
    %dma_wait3A_336 = arith.constant 0 : i32
    %dma_wait3A_337 = tpu.memref_slice %arg13[%add3A_273, %dma_wait3A_336] : memref<2048x128xf32, #tpu.memory_space<vmem_shared>> -> memref<128x128xf32, #tpu.memory_space<vmem_shared>>
    %dma_wait3A_338 = arith.constant 0 : i32
    %dma_wait3A_339 = tpu.memref_slice %arg13[%add3A_273, %dma_wait3A_338] : memref<2048x128xf32, #tpu.memory_space<vmem_shared>> -> memref<128x128xf32, #tpu.memory_space<vmem_shared>>
    tpu.wait_dma2 semaphore(%arg16 : memref<!tpu.dma_semaphore, #tpu.memory_space<semaphore_mem>>) src(%dma_wait3A_339 : memref<128x128xf32, #tpu.memory_space<vmem_shared>>) dst(%arg11 : memref<128x128xf32, #tpu.memory_space<vmem>>)
    %dma_start3A_340 = arith.constant 6 : i32
    %dma_start3A_341 = arith.constant 0 : i32
    %dma_start3A_342 = tpu.memref_slice %arg7[%dma_start3A_340, %dma_start3A_341] : memref<8x128xi32, #tpu.memory_space<vmem>> -> memref<1x128xi32, #tpu.memory_space<vmem>>
    %dma_start3A_343 = tpu.memref_squeeze %dma_start3A_342 : memref<1x128xi32, #tpu.memory_space<vmem>> -> memref<128xi32, #tpu.memory_space<vmem>>
    %dma_start3A_344 = arith.constant 0 : i32
    %dma_start3A_345 = arith.constant 0 : i32
    %dma_start3A_346 = tpu.memref_slice %arg3[%dma_start3A_344, %dma_start3A_345] : memref<100000x128xf32, #tpu.memory_space<hbm>> -> memref<100000x128xf32, #tpu.memory_space<hbm>>
    tpu.enqueue_indirect_dma source(%dma_start3A_346 : memref<100000x128xf32, #tpu.memory_space<hbm>>) target(%arg11 : memref<128x128xf32, #tpu.memory_space<vmem>>) offsets(%dma_start3A_343 : memref<128xi32, #tpu.memory_space<vmem>>) semaphore(%arg20 : memref<!tpu.dma_semaphore, #tpu.memory_space<semaphore_mem>>) {add = true}
    %dma_wait3A_347 = arith.constant 5 : i32
    %dma_wait3A_348 = arith.constant 0 : i32
    %dma_wait3A_349 = tpu.memref_slice %arg7[%dma_wait3A_347, %dma_wait3A_348] : memref<8x128xi32, #tpu.memory_space<vmem>> -> memref<1x128xi32, #tpu.memory_space<vmem>>
    %dma_wait3A_350 = tpu.memref_squeeze %dma_wait3A_349 : memref<1x128xi32, #tpu.memory_space<vmem>> -> memref<128xi32, #tpu.memory_space<vmem>>
    %dma_wait3A_351 = arith.constant 0 : i32
    %dma_wait3A_352 = arith.constant 0 : i32
    %dma_wait3A_353 = tpu.memref_slice %arg3[%dma_wait3A_351, %dma_wait3A_352] : memref<100000x128xf32, #tpu.memory_space<hbm>> -> memref<100000x128xf32, #tpu.memory_space<hbm>>
    tpu.wait_indirect_dma semaphore(%arg19 : memref<!tpu.dma_semaphore, #tpu.memory_space<semaphore_mem>>) src(%dma_wait3A_353 : memref<100000x128xf32, #tpu.memory_space<hbm>>) dst(%arg10 : memref<128x128xf32, #tpu.memory_space<vmem>>)
    %add3A_354 = arith.constant 640 : i32
    %add3A_355 = arith.addi %mul3A_2, %add3A_354 : i32
    %dma_start3A_356 = arith.constant 0 : i32
    %dma_start3A_357 = tpu.memref_slice %arg6[%add3A_355, %dma_start3A_356] : memref<32768x128xf32, #tpu.memory_space<hbm>> -> memref<128x128xf32, #tpu.memory_space<hbm>>
    %dma_start3A_358 = arith.constant 0 : i32
    %dma_start3A_359 = tpu.memref_slice %arg6[%add3A_355, %dma_start3A_358] : memref<32768x128xf32, #tpu.memory_space<hbm>> -> memref<128x128xf32, #tpu.memory_space<hbm>>
    tpu.enqueue_dma source(%arg10 : memref<128x128xf32, #tpu.memory_space<vmem>>) target(%dma_start3A_359 : memref<128x128xf32, #tpu.memory_space<hbm>>) target_semaphore(%arg23 : memref<!tpu.dma_semaphore, #tpu.memory_space<semaphore_mem>>)
    %dma_wait3A_360 = arith.constant 0 : i32
    %dma_wait3A_361 = tpu.memref_slice %arg13[%add3A_307, %dma_wait3A_360] : memref<2048x128xf32, #tpu.memory_space<vmem_shared>> -> memref<128x128xf32, #tpu.memory_space<vmem_shared>>
    %dma_wait3A_362 = arith.constant 0 : i32
    %dma_wait3A_363 = tpu.memref_slice %arg13[%add3A_307, %dma_wait3A_362] : memref<2048x128xf32, #tpu.memory_space<vmem_shared>> -> memref<128x128xf32, #tpu.memory_space<vmem_shared>>
    tpu.wait_dma2 semaphore(%arg17 : memref<!tpu.dma_semaphore, #tpu.memory_space<semaphore_mem>>) src(%dma_wait3A_363 : memref<128x128xf32, #tpu.memory_space<vmem_shared>>) dst(%arg12 : memref<128x128xf32, #tpu.memory_space<vmem>>)
    %dma_start3A_364 = arith.constant 7 : i32
    %dma_start3A_365 = arith.constant 0 : i32
    %dma_start3A_366 = tpu.memref_slice %arg7[%dma_start3A_364, %dma_start3A_365] : memref<8x128xi32, #tpu.memory_space<vmem>> -> memref<1x128xi32, #tpu.memory_space<vmem>>
    %dma_start3A_367 = tpu.memref_squeeze %dma_start3A_366 : memref<1x128xi32, #tpu.memory_space<vmem>> -> memref<128xi32, #tpu.memory_space<vmem>>
    %dma_start3A_368 = arith.constant 0 : i32
    %dma_start3A_369 = arith.constant 0 : i32
    %dma_start3A_370 = tpu.memref_slice %arg3[%dma_start3A_368, %dma_start3A_369] : memref<100000x128xf32, #tpu.memory_space<hbm>> -> memref<100000x128xf32, #tpu.memory_space<hbm>>
    tpu.enqueue_indirect_dma source(%dma_start3A_370 : memref<100000x128xf32, #tpu.memory_space<hbm>>) target(%arg12 : memref<128x128xf32, #tpu.memory_space<vmem>>) offsets(%dma_start3A_367 : memref<128xi32, #tpu.memory_space<vmem>>) semaphore(%arg21 : memref<!tpu.dma_semaphore, #tpu.memory_space<semaphore_mem>>) {add = true}
    %dma_wait3A_371 = arith.constant 6 : i32
    %dma_wait3A_372 = arith.constant 0 : i32
    %dma_wait3A_373 = tpu.memref_slice %arg7[%dma_wait3A_371, %dma_wait3A_372] : memref<8x128xi32, #tpu.memory_space<vmem>> -> memref<1x128xi32, #tpu.memory_space<vmem>>
    %dma_wait3A_374 = tpu.memref_squeeze %dma_wait3A_373 : memref<1x128xi32, #tpu.memory_space<vmem>> -> memref<128xi32, #tpu.memory_space<vmem>>
    %dma_wait3A_375 = arith.constant 0 : i32
    %dma_wait3A_376 = arith.constant 0 : i32
    %dma_wait3A_377 = tpu.memref_slice %arg3[%dma_wait3A_375, %dma_wait3A_376] : memref<100000x128xf32, #tpu.memory_space<hbm>> -> memref<100000x128xf32, #tpu.memory_space<hbm>>
    tpu.wait_indirect_dma semaphore(%arg20 : memref<!tpu.dma_semaphore, #tpu.memory_space<semaphore_mem>>) src(%dma_wait3A_377 : memref<100000x128xf32, #tpu.memory_space<hbm>>) dst(%arg11 : memref<128x128xf32, #tpu.memory_space<vmem>>)
    %add3A_378 = arith.constant 768 : i32
    %add3A_379 = arith.addi %mul3A_2, %add3A_378 : i32
    %dma_start3A_380 = arith.constant 0 : i32
    %dma_start3A_381 = tpu.memref_slice %arg6[%add3A_379, %dma_start3A_380] : memref<32768x128xf32, #tpu.memory_space<hbm>> -> memref<128x128xf32, #tpu.memory_space<hbm>>
    %dma_start3A_382 = arith.constant 0 : i32
    %dma_start3A_383 = tpu.memref_slice %arg6[%add3A_379, %dma_start3A_382] : memref<32768x128xf32, #tpu.memory_space<hbm>> -> memref<128x128xf32, #tpu.memory_space<hbm>>
    tpu.enqueue_dma source(%arg11 : memref<128x128xf32, #tpu.memory_space<vmem>>) target(%dma_start3A_383 : memref<128x128xf32, #tpu.memory_space<hbm>>) target_semaphore(%arg24 : memref<!tpu.dma_semaphore, #tpu.memory_space<semaphore_mem>>)
    %dma_wait3A_384 = arith.constant 7 : i32
    %dma_wait3A_385 = arith.constant 0 : i32
    %dma_wait3A_386 = tpu.memref_slice %arg7[%dma_wait3A_384, %dma_wait3A_385] : memref<8x128xi32, #tpu.memory_space<vmem>> -> memref<1x128xi32, #tpu.memory_space<vmem>>
    %dma_wait3A_387 = tpu.memref_squeeze %dma_wait3A_386 : memref<1x128xi32, #tpu.memory_space<vmem>> -> memref<128xi32, #tpu.memory_space<vmem>>
    %dma_wait3A_388 = arith.constant 0 : i32
    %dma_wait3A_389 = arith.constant 0 : i32
    %dma_wait3A_390 = tpu.memref_slice %arg3[%dma_wait3A_388, %dma_wait3A_389] : memref<100000x128xf32, #tpu.memory_space<hbm>> -> memref<100000x128xf32, #tpu.memory_space<hbm>>
    tpu.wait_indirect_dma semaphore(%arg21 : memref<!tpu.dma_semaphore, #tpu.memory_space<semaphore_mem>>) src(%dma_wait3A_390 : memref<100000x128xf32, #tpu.memory_space<hbm>>) dst(%arg12 : memref<128x128xf32, #tpu.memory_space<vmem>>)
    %add3A_391 = arith.constant 896 : i32
    %add3A_392 = arith.addi %mul3A_2, %add3A_391 : i32
    %dma_start3A_393 = arith.constant 0 : i32
    %dma_start3A_394 = tpu.memref_slice %arg6[%add3A_392, %dma_start3A_393] : memref<32768x128xf32, #tpu.memory_space<hbm>> -> memref<128x128xf32, #tpu.memory_space<hbm>>
    %dma_start3A_395 = arith.constant 0 : i32
    %dma_start3A_396 = tpu.memref_slice %arg6[%add3A_392, %dma_start3A_395] : memref<32768x128xf32, #tpu.memory_space<hbm>> -> memref<128x128xf32, #tpu.memory_space<hbm>>
    tpu.enqueue_dma source(%arg12 : memref<128x128xf32, #tpu.memory_space<vmem>>) target(%dma_start3A_396 : memref<128x128xf32, #tpu.memory_space<hbm>>) target_semaphore(%arg25 : memref<!tpu.dma_semaphore, #tpu.memory_space<semaphore_mem>>)
    %dma_wait3A_397 = arith.constant 0 : i32
    %dma_wait3A_398 = tpu.memref_slice %arg6[%add3A_331, %dma_wait3A_397] : memref<32768x128xf32, #tpu.memory_space<hbm>> -> memref<128x128xf32, #tpu.memory_space<hbm>>
    %dma_wait3A_399 = arith.constant 0 : i32
    %dma_wait3A_400 = tpu.memref_slice %arg6[%add3A_331, %dma_wait3A_399] : memref<32768x128xf32, #tpu.memory_space<hbm>> -> memref<128x128xf32, #tpu.memory_space<hbm>>
    tpu.wait_dma2 semaphore(%arg22 : memref<!tpu.dma_semaphore, #tpu.memory_space<semaphore_mem>>) src(%arg9 : memref<128x128xf32, #tpu.memory_space<vmem>>) dst(%dma_wait3A_400 : memref<128x128xf32, #tpu.memory_space<hbm>>)
    %dma_wait3A_401 = arith.constant 0 : i32
    %dma_wait3A_402 = tpu.memref_slice %arg6[%add3A_355, %dma_wait3A_401] : memref<32768x128xf32, #tpu.memory_space<hbm>> -> memref<128x128xf32, #tpu.memory_space<hbm>>
    %dma_wait3A_403 = arith.constant 0 : i32
    %dma_wait3A_404 = tpu.memref_slice %arg6[%add3A_355, %dma_wait3A_403] : memref<32768x128xf32, #tpu.memory_space<hbm>> -> memref<128x128xf32, #tpu.memory_space<hbm>>
    tpu.wait_dma2 semaphore(%arg23 : memref<!tpu.dma_semaphore, #tpu.memory_space<semaphore_mem>>) src(%arg10 : memref<128x128xf32, #tpu.memory_space<vmem>>) dst(%dma_wait3A_404 : memref<128x128xf32, #tpu.memory_space<hbm>>)
    %dma_wait3A_405 = arith.constant 0 : i32
    %dma_wait3A_406 = tpu.memref_slice %arg6[%add3A_379, %dma_wait3A_405] : memref<32768x128xf32, #tpu.memory_space<hbm>> -> memref<128x128xf32, #tpu.memory_space<hbm>>
    %dma_wait3A_407 = arith.constant 0 : i32
    %dma_wait3A_408 = tpu.memref_slice %arg6[%add3A_379, %dma_wait3A_407] : memref<32768x128xf32, #tpu.memory_space<hbm>> -> memref<128x128xf32, #tpu.memory_space<hbm>>
    tpu.wait_dma2 semaphore(%arg24 : memref<!tpu.dma_semaphore, #tpu.memory_space<semaphore_mem>>) src(%arg11 : memref<128x128xf32, #tpu.memory_space<vmem>>) dst(%dma_wait3A_408 : memref<128x128xf32, #tpu.memory_space<hbm>>)
    %dma_wait3A_409 = arith.constant 0 : i32
    %dma_wait3A_410 = tpu.memref_slice %arg6[%add3A_392, %dma_wait3A_409] : memref<32768x128xf32, #tpu.memory_space<hbm>> -> memref<128x128xf32, #tpu.memory_space<hbm>>
    %dma_wait3A_411 = arith.constant 0 : i32
    %dma_wait3A_412 = tpu.memref_slice %arg6[%add3A_392, %dma_wait3A_411] : memref<32768x128xf32, #tpu.memory_space<hbm>> -> memref<128x128xf32, #tpu.memory_space<hbm>>
    tpu.wait_dma2 semaphore(%arg25 : memref<!tpu.dma_semaphore, #tpu.memory_space<semaphore_mem>>) src(%arg12 : memref<128x128xf32, #tpu.memory_space<vmem>>) dst(%dma_wait3A_412 : memref<128x128xf32, #tpu.memory_space<hbm>>)
    return
  }
}

</mosaic_0001>

<sc_bundles>
// kernel: kernel.3.cloned.1.call-start
scs
__scs_entry_jumppad:
0x0: {  	(pc) =	sbr.rel $0x88, $3  }
0x1: {  	(tag) =	ssettag $0x0;
	lr =	simm.s32 $0x1  }
0x2: {  	[smem:$0x3F9D] =	sst lr;
	_ =	strace $0xD0000000  }
0x3: {  	_ = 	snop  }
0x4: {  	_ = 	snop  }
0x5: {  	_ = 	snop  }
0x6: {  	_ = 	snop  }
0x7: {  	_ = 	snop  }
__scs_overlays_trampoline_lowered:
0x8: {  	[smem:$0x3FAC] =	sst s0  }
0x9: {  	[smem:$0x3FAD] =	sst s1  }
0xa: {  	[smem:$0x3FAE] =	sst s2  }
0xb: {  	[smem:$0x3FAF] =	sst s3  }
0xc: {  	[smem:$0x3FB0] =	sst s4  }
0xd: {  	[smem:$0x3FB1] =	sst s5  }
0xe: {  	[smem:$0x3FB2] =	sst s6  }
0xf: {  	[smem:$0x3FB3] =	sst s7  }
0x10: {  	[smem:$0x3FB4] =	sst s8  }
0x11: {  	[smem:$0x3FB5] =	sst s9;
	s0 =	simm.s32 @!p0 $0x0  }
0x12: {  	s1 =	sld [smem:$0x3F9B];
	s0 =	simm.s32 @p0 $0x1  }
0x13: {  	[smem:$0x3FB6] =	sst s0;
	s0 =	simm.s32 @!p1 $0x0  }
0x14: {  	s2 =	sld [smem:$0x3F9A];
	s0 =	simm.s32 @p1 $0x1  }
0x15: {  	[smem:$0x3FB7] =	sst s0;
	s0 =	simm.s32 @!p2 $0x0  }
0x16: {  	s3 =	sld [smem:$0x3FDB];
	s0 =	simm.s32 @p2 $0x1  }
0x17: {  	s4 =	simm.s32 $0x1BF5;
	[smem:$0x3FB9] =	sst s0  }
0x18: {  	s0 =	sld [smem:$0x3F9C];
	_ =	swait.ge [sflag:s4], $0x0  }
0x19: {  	s7 =	sld [smem:$0x3F9D]  }
0x1a: {  	s8 =	sadd.s32 $0xFFFFE003, lr  }
0x1b: {  	s9 =	sadd.s32 $0xFFFFFEF7, lr;
	s5 =	simm.s32 $0xFFFFFFFF;
	p2 =	slt.u32 s8, $0xFFFFF086  }
0x1c: {  	p1 =	slt.u32 s9, $0xF7A;
	s5 =	simm.s32 @!p2 $0x0  }
0x1d: {  	s5 =	simm.s32 @p1 $0x1;
	p0 =	seq.s32 s7, s2  }
0x1e: {  	s7 =	smul.u32 @!p0 $0xF7A, s2;
	p2 =	seq.s32 @!p0 s5, $0x0  }
0x1f: {  	s9 =	smul.u32 $0xF7A, s1;
	s8 =	simm.s32 @!p0 $0x1BF5;
	p2 =	por !p2, p0  }
0x20: {  	[sflag:s8] =	ssyncset.s32 @!p0 $0xFFFFF086;
	s6 =	sadd.s32 @!p0 s3, s7;
	s7 =	simm.s32 @!p0 $0x108  }
0x21: {  	s3 =	sadd.s32 s3, s9;
	s6 =	sadd.s32 @!p0 $0x88, s6;
	s7 =	simm.s32 @p2 $0x1082  }
0x22: {  	[simem:s7], [sflag:s8] =	dma.local @!p0 [hbm:s6], $0xF7A  }
0x23: {  	s9 =	sor.u32 $0xD0000000, s2;
	s6 =	simm.s32 $0x108;
	_ =	swait.ge @!p0 [sflag:s8], $0x0  }
0x24: {  	s3 =	sadd.s32 $0x88, s3;
	s6 =	simm.s32 @!p1 $0x1082;
	[sflag:s4] =	ssyncset.s32 $0xFFFFF086  }
0x25: {  	[simem:s6], [sflag:s4] =	dma.local [hbm:s3], $0xF7A  }
0x26: {  	[smem:$0x3F9D] =	sst s1;
	(tag) =	ssettag s2;
	_ =	strace s9  }
0x27: {  	s1 =	sld [smem:$0x3FAD]  }
0x28: {  	s2 =	sld [smem:$0x3FAE]  }
0x29: {  	s4 =	sld [smem:$0x3FB0]  }
0x2a: {  	p0 =	seq.s32 s5, $0x0;
	s5 =	sld [smem:$0x3FB1]  }
0x2b: {  	s6 =	sld [smem:$0x3FB2]  }
0x2c: {  	s7 =	sld [smem:$0x3FB3]  }
0x2d: {  	s3 =	simm.s32 $0x108;
	s8 =	sld [smem:$0x3FB4]  }
0x2e: {  	s3 =	simm.s32 @!p0 $0x1082;
	s9 =	sld [smem:$0x3FB5]  }
0x2f: {  	lr =	sadd.s32 s0, s3;
	s0 =	sld [smem:$0x3FAC]  }
0x30: {  	s3 =	sld [smem:$0x3FAF]  }
0x31: {  	[smem:$0x3FB8] =	sst s10  }
0x32: {  	s10 =	sld [smem:$0x3FB6];
	_ =	sdelay $0x3  }
0x33: {  	p0 =	seq.s32 s10, $0x1;
	s10 =	sld [smem:$0x3FB8];
	_ =	sdelay $0x3  }
0x34: {  	[smem:$0x3FB8] =	sst s10  }
0x35: {  	s10 =	sld [smem:$0x3FB7];
	_ =	sdelay $0x3  }
0x36: {  	p1 =	seq.s32 s10, $0x1;
	s10 =	sld [smem:$0x3FB8];
	_ =	sdelay $0x3  }
0x37: {  	[smem:$0x3FB8] =	sst s10  }
0x38: {  	s10 =	sld [smem:$0x3FB9]  }
0x39: {  	_ = 	snop;
	(pc) =	sbr.ind lr, $3  }
0x3a: {  	_ = 	snop  }
0x3b: {  	_ = 	snop  }
0x3c: {  	p2 =	seq.s32 s10, $0x1;
	s10 =	sld [smem:$0x3FB8]  }
0x3d: {  	_ =	shalt  }
0x3e: {  	_ =	shalt  }
0x3f: {  	_ =	shalt  }
0x40: {  	_ =	shalt  }
0x41: {  	_ =	shalt  }
0x42: {  	_ =	shalt  }
0x43: {  	_ =	shalt  }
0x44: {  	_ =	shalt  }
0x45: {  	_ =	shalt  }
0x46: {  	_ =	shalt  }
0x47: {  	_ =	shalt  }
0x48: {  	_ =	shalt  }
0x49: {  	_ =	shalt  }
0x4a: {  	_ =	shalt  }
0x4b: {  	_ =	shalt  }
0x4c: {  	_ =	shalt  }
0x4d: {  	_ =	shalt  }
0x4e: {  	_ =	shalt  }
0x4f: {  	_ =	shalt  }
0x50: {  	_ =	shalt  }
0x51: {  	_ =	shalt  }
0x52: {  	_ =	shalt  }
0x53: {  	_ =	shalt  }
0x54: {  	_ =	shalt  }
0x55: {  	_ =	shalt  }
0x56: {  	_ =	shalt  }
0x57: {  	_ =	shalt  }
0x58: {  	_ =	shalt  }
0x59: {  	_ =	shalt  }
0x5a: {  	_ =	shalt  }
0x5b: {  	_ =	shalt  }
0x5c: {  	_ =	shalt  }
0x5d: {  	_ =	shalt  }
0x5e: {  	_ =	shalt  }
0x5f: {  	_ =	shalt  }
0x60: {  	_ =	shalt  }
0x61: {  	_ =	shalt  }
0x62: {  	_ =	shalt  }
0x63: {  	_ =	shalt  }
0x64: {  	_ =	shalt  }
0x65: {  	_ =	shalt  }
0x66: {  	_ =	shalt  }
0x67: {  	_ =	shalt  }
0x68: {  	_ =	shalt  }
0x69: {  	_ =	shalt  }
0x6a: {  	_ =	shalt  }
0x6b: {  	_ =	shalt  }
0x6c: {  	_ =	shalt  }
0x6d: {  	_ =	shalt  }
0x6e: {  	_ =	shalt  }
0x6f: {  	_ =	shalt  }
0x70: {  	_ =	shalt  }
0x71: {  	_ =	shalt  }
0x72: {  	_ =	shalt  }
0x73: {  	_ =	shalt  }
0x74: {  	_ =	shalt  }
0x75: {  	_ =	shalt  }
0x76: {  	_ =	shalt  }
0x77: {  	_ =	shalt  }
0x78: {  	_ =	shalt  }
0x79: {  	_ =	shalt  }
0x7a: {  	_ =	shalt  }
0x7b: {  	_ =	shalt  }
0x7c: {  	_ =	shalt  }
0x7d: {  	_ =	shalt  }
0x7e: {  	_ =	shalt  }
0x7f: {  	_ =	shalt  }
0x80: {  	_ =	shalt  }
0x81: {  	_ =	shalt  }
0x82: {  	_ =	shalt  }
0x83: {  	_ =	shalt  }
0x84: {  	_ =	shalt  }
0x85: {  	_ =	shalt  }
0x86: {  	_ =	shalt  }
0x87: {  	_ =	shalt  }
.Lfunc_end0:
.L_simem_size_0:
called_computation_lowered:
.L_overlay_start_0:
0x88: {  	s2 =	sld [smem:$0x3FD9]  }
0x89: {  	s3 =	sld [smem:$0x3FFE];
	_ =	sdelay $0x1  }
0x8a: {  	s1 =	srdreg.scid  }
0x8b: {  	s0 =	sand.u32 $0x1, s1  }
0x8c: {  	s17 =	sshll.u32 s0, $0xA;
	s2 =	sadd.s32 s3, s2  }
0x8d: {  	s2 =	sadd.s32 s2, s17  }
0x8e: {  	[smem:$0x3FC4] =	sst s2  }
0x8f: {  	_ = 	snop  }
0x90: {  	s2 =	sld [smem:$0x3FC8]  }
0x91: {  	s18 =	sld [smem:$0x3FC7]  }
0x92: {  	s4 =	sld [smem:$0x3FC6]  }
0x93: {  	s5 =	sld [smem:$0x3FD0];
	(tm) =	ssettm $0x1  }
0x94: {  	s6 =	sld [smem:$0x3FFB];
	_ =	sdelay $0x3  }
0x95: {  	_ =	strace s6  }
0x96: {  	s6 =	sld [smem:$0x3FFC];
	_ =	sdelay $0x3  }
0x97: {  	_ =	strace s6  }
0x98: {  	s6 =	sld [smem:$0x3FFD];
	_ =	sdelay $0x3  }
0x99: {  	_ =	strace s6  }
0x9a: {  	_ =	strace $0x8FFFFFFF  }
0x9b: {  	s19 =	sld [smem:$0x3FDB];
	_ =	sdelay $0x1  }
0x9c: {  	s7 =	simm.s32 $_scs_section_size  }
0x9d: {  	s8 =	simm.s32 $_size__tile_overlayer_lowered;
	s9 =	simm.s32 $_tile_overlayer_lowered  }
0x9e: {  	s22 =	simm.s32 $0x1BFF;
	s21 =	sshll.u32 s9, $0x1;
	s6 =	sadd.s32 s7, s19  }
0x9f: {  	s10 =	simm.s32 $0x0;
	s20 =	sshll.u32 s8, $0x1;
	s8 =	sadd.s32 s21, s6  }
0xa0: {  	[timem:s10], [sflag:s22] =	dma.local [hbm:s8], s20  }
0xa1: {  	_ =	swait.ge [sflag:s22], s20  }
0xa2: {  	s7 =	ssub.s32 $0x0, s20;
	[sflag:s22] =	ssyncset.done $0x0  }
0xa3: {  	[sflag:s22] =	ssyncadd.s32 s7;
	_ =	sdelay $0x1  }
0xa4: {  	s23 =	simm.s32 $0x1B8B  }
0xa5: {  	_ =	swait.ge [sflag:s23], $0x1  }
0xa6: {  	[sflag:s23] =	ssyncset.done $0x0  }
0xa7: {  	s25 =	simm.s32 $0x1B8E;
	s24 =	sld [smem:$0x3FFE];
	[sflag:s23] =	ssyncadd.s32 $0xFFFFFFFF  }
0xa8: {  	s26 =	simm.s32 $execute0_lowered;
	[smem:$0x3FD2] =	sst s25  }
0xa9: {  	s8 =	sshll.u32 s26, $0x1;
	_ =	strace $0x80000046;
	[dreg:$0x1] =	wrdreg $0xFFFFFFFF  }
0xaa: {  	s28 =	simm.s32 $_size_execute0_lowered;
	s6 =	sadd.s32 s6, s8;
	[dreg:$0x0] =	wrdreg $0x0  }
0xab: {  	s8 =	sshll.u32 s28, $0x1;
	[dreg:$0x2] =	wrdreg s6  }
0xac: {  	[dreg:$0x3] =	wrdreg s8  }
0xad: {  	[dreg:$0x4] =	wrdreg $0xC0  }
0xae: {  	_ =	task [dreg:s10], $0x5FFFF  }
0xaf: {  	[dreg:$0x1] =	wrdreg $0xFFFFFFFF  }
0xb0: {  	[dreg:$0x0] =	wrdreg $0x60  }
0xb1: {  	[dreg:$0x2] =	wrdreg s24  }
0xb2: {  	[dreg:$0x3] =	wrdreg s2  }
0xb3: {  	[dreg:$0x4] =	wrdreg s18  }
0xb4: {  	[dreg:$0x5] =	wrdreg s4  }
0xb5: {  	[dreg:$0x6] =	wrdreg s5  }
0xb6: {  	[dreg:$0x7] =	wrdreg $0x105000  }
0xb7: {  	[dreg:$0x8] =	wrdreg $0x9  }
0xb8: {  	_ =	task.clear_ibuf [dreg:s10], $0x9FFFF;
	_ =	strace $0x90000046  }
0xb9: {  	s29 =	simm.s32 $0x9;
	_ =	strace $0x80000048  }
0xba: {  	_ =	swait.ge [sflag:s29], $0x1  }
0xbb: {  	[sflag:s29] =	ssyncadd.s32 $0xFFFFFFFF  }
0xbc: {  	_ =	strace $0x90000048  }
0xbd: {  	_ =	sfence  }
0xbe: {  	s30 =	sld [smem:$0x0];
	_ =	sdelay $0x2  }
0xbf: {  	s31 =	sshll.u32 s1, $0xD;
	s1 =	sshrl.u32 s1, $0x2  }
0xc0: {  	s3 =	sand.u32 $0x4000, s31;
	s1 =	sadd.s32 s1, s30  }
0xc1: {  	s0 =	sor.u32 s3, s0;
	s1 =	sshll.u32 s1, $0x11  }
0xc2: {  	s0 =	sor.u32 s1, s0  }
0xc3: {  	s0 =	sadd.s32 $0x8F2B, s0  }
0xc4: {  	[sflag:s0] =	ssyncadd.remote.s32 $0x1  }
0xc5: {  	_ =	sfence.sel $0xFFFF  }
0xc6: {  	[dreg:$0x0] =	wrdreg $0xFFFFFFFF;
	(pc) =	sbr.abs _section_cstart, $3  }
0xc7: {  	[dreg:$0x1] =	wrdreg $0xFFFFFFFF  }
0xc8: {  	_ =	task.clear_ibuf [dreg:s10], $0x2FFFF;
	_ =	strace $0x9FFFFFFF  }
0xc9: {  	(tm) =	ssettm $0x7FFFFFFF  }
tec
execute0_lowered:
.L_overlay_start_1:
0x0: {  	(tag) =	ssettag $0x1  }
0x1: {  	s0 =	rddreg [dreg:$0x0]  }
0x2: {  	s1 =	rddreg [dreg:$0x1]  }
0x3: {  	s2 =	rddreg [dreg:$0x2]  }
0x4: {  	s3 =	rddreg [dreg:$0x4]  }
0x5: {  	s5 =	rddreg [dreg:$0x5];
	s6 =	srdreg.scid  }
0x6: {  	s11 =	stileid.u32;
	s4 =	simm.s32 $0x0;
	s22 =	simm.s32 $0x4D0  }
0x7: {  	s23 =	simm.s32 $0x4E0;
	s24 =	simm.s32 $0x4F0;
	s28 =	simm.s32 $0xB  }
0x8: {  	s29 =	simm.s32 $0x8;
	s30 =	simm.s32 $0x0;
	s6 =	sand.u32 $0x1, s6  }
0x9: {  	s7 =	sshll.u32 s11, $0x1;
	[smem:$0x7FF] =	sst s4;
	s26 =	sshll.u32 s11, $0xB  }
0xa: {  	s31 =	sshll.u32 s11, $0xE;
	p0 =	sgt.u32 s11, $0x7;
	s11 =	simm.s32 $0x80  }
0xb: {  	s7 =	sor.u32 s6, s7;
	s8 =	ssub.s32 $0x2, s6;
	_ =	strace $0x80000047  }
0xc: {  	s2 =	sadd.s32 s2, s26;
	s6 =	sshll.u32 s6, $0x11;
	s22 =	simm.s32 @!p0 $0x450  }
0xd: {  	s23 =	simm.s32 @!p0 $0x460;
	s24 =	simm.s32 @!p0 $0x470;
	s9 =	sshll.u32 s7, $0x7  }
0xe: {  	s10 =	sshrl.u32 s8, $0x1;
	[dreg:$0x7] =	wrdreg s2;
	s13 =	sshll.u32 s7, $0xE  }
0xf: {  	s2 =	simm.s32 $0x490;
	s25 =	ssub.s32 s8, s10;
	s8 =	sadd.s32 s31, s5  }
0x10: {  	s0 =	sadd.s32 s9, s0;
	s2 =	simm.s32 @!p0 $0x410;
	[dreg:$0x9] =	wrdreg s8  }
0x11: {  	s7 =	simm.s32 $0x2;
	s0 =	sadd.s32 $0x400, s0;
	[dreg:$0x12] =	wrdreg s2  }
0x12: {  	s8 =	sadd.s32 s6, s5;
	s19 =	smax.u32 s25, $0x1;
	[dreg:$0x8] =	wrdreg s0  }
0x13: {  	s9 =	simm.s32 $0x4500;
	s10 =	sadd.s32 $0x4000, s8;
	[dreg:$0x16] =	wrdreg s19  }
0x14: {  	s2 =	simm.s32 $0x4C0;
	s12 =	sadd.s32 $0x8000, s8;
	[dreg:$0xa] =	wrdreg s10  }
0x15: {  	s5 =	simm.s32 $0xD;
	s14 =	sadd.s32 $0xC000, s8;
	[dreg:$0xb] =	wrdreg s12  }
0x16: {  	s6 =	simm.s32 $0x1;
	s15 =	sadd.s32 $0x10000, s8;
	[dreg:$0xc] =	wrdreg s14  }
0x17: {  	s17 =	sadd.s32 $0x14000, s8;
	s0 =	simm.s32 $0x480;
	[dreg:$0xd] =	wrdreg s15  }
0x18: {  	s2 =	simm.s32 @!p0 $0x440;
	s20 =	sadd.s32 $0x18000, s8;
	[dreg:$0xf] =	wrdreg s17  }
0x19: {  	s25 =	sadd.s32 $0x1C000, s8;
	s19 =	simm.s32 $0xC;
	[dreg:$0x15] =	wrdreg s2  }
0x1a: {  	s12 =	sadd.s32 s3, s13;
	s0 =	simm.s32 @!p0 $0x400;
	[dreg:$0x17] =	wrdreg s20  }
0x1b: {  	[dreg:$0x19] =	wrdreg s25;
	s2 =	simm.s32 $0x500;
	s10 =	simm.s32 $0x8500  }
0x1c: {  	s13 =	simm.s32 $0xC500;
	s16 =	sadd.s32 $0x800, s12;
	[dreg:$0x11] =	wrdreg s0  }
0x1d: {  	s14 =	simm.s32 $0x5;
	s18 =	sadd.s32 $0x1000, s12;
	[dreg:$0xe] =	wrdreg s16  }
0x1e: {  	s15 =	simm.s32 $0x9;
	s21 =	sadd.s32 $0x1800, s12;
	[dreg:$0x10] =	wrdreg s18  }
0x1f: {  	s25 =	simm.s32 $0x6;
	s26 =	sadd.s32 $0x2000, s12;
	[dreg:$0x18] =	wrdreg s21  }
0x20: {  	s0 =	simm.s32 $0x4A0;
	s31 =	sadd.s32 $0x2800, s12;
	[dreg:$0x1a] =	wrdreg s26  }
0x21: {  	s17 =	simm.s32 $0xA;
	s0 =	simm.s32 @!p0 $0x420;
	[dreg:$0x1b] =	wrdreg s31  }
0x22: {  	s3 =	sadd.s32 $0x3800, s12;
	[dreg:$0x13] =	wrdreg s0;
	s0 =	simm.s32 $0x4B0  }
0x23: {  	s16 =	simm.s32 $0x3;
	s18 =	simm.s32 $0x4;
	s0 =	simm.s32 @!p0 $0x430  }
0x24: {  	s26 =	simm.s32 $0x7;
	[dreg:$0x14] =	wrdreg s0;
	s0 =	sadd.s32 $0x3000, s12  }
.LBB2_1:
0x25: {  	s20 =	rddreg [dreg:$0x7]  }
0x26: {  	[tilespmem:s2], [sflag:$0x1] =	stream.linear.gather [hbm4b:s20+s4], $0x4000, $0x38;
	[tilespmem:$0x14500] =	vst v63  }
0x27: {  	s21 =	rddreg [dreg:$0x8]  }
0x28: {  	[tilespmem:s4], [sflag:$0x2] =	stream.linear.gather [hbm4b:s21+s4], $0x400, $0x38;
	[tilespmem:$0x14500] =	vst v63  }
0x29: {  	s20 =	rddreg [dreg:$0x3];
	s21 =	simm.s32 $0x400  }
0x2a: {  	[tilespmem:s21], [sflag:$0xD] =	stream.linear.gather [hbm4b:s20+s4], $0x100, $0x38;
	[tilespmem:$0x14500] =	vst v63  }
0x2b: {  	_ =	swait.ge [sflag:s5], $0x100  }
0x2c: {  	[sflag:s5] =	ssyncset.done $0x0  }
0x2d: {  	s21 =	rddreg [dreg:$0x11];
	[sflag:s5] =	ssyncadd.s32 $0xFFFFFF00  }
0x2e: {  	v6 =	vld [tilespmem:s21+$0x0]  }
0x2f: {  	v2 =	vld [tilespmem:s22+$0x0]  }
0x30: {  	v1 =	vld [tilespmem:s23+$0x0]  }
0x31: {  	s21 =	rddreg [dreg:$0x12];
	v0 =	vld [tilespmem:s24+$0x0]  }
0x32: {  	v7 =	vld [tilespmem:s21+$0x0];
	s21 =	rddreg [dreg:$0x13]  }
0x33: {  	v5 =	vld [tilespmem:s21+$0x0];
	s21 =	rddreg [dreg:$0x14]  }
0x34: {  	v4 =	vld [tilespmem:s21+$0x0];
	s21 =	rddreg [dreg:$0x15]  }
0x35: {  	v3 =	vld [tilespmem:s21+$0x0];
	_ =	swait.ge [sflag:s6], $0x4000  }
0x36: {  	[sflag:s6] =	ssyncset.done $0x0  }
0x37: {  	s20 =	simm.s32 $0x0;
	[sflag:s6] =	ssyncadd.s32 $0xFFFFC000  }
0x38: {  	v11 =	vld [tilespmem:s20+$0x500]  }
0x39: {  	v13 =	vld [tilespmem:s20+$0x510]  }
0x3a: {  	v12 =	vld [tilespmem:s20+$0x520]  }
0x3b: {  	v10 =	vld [tilespmem:s20+$0x530]  }
0x3c: {  	v8 =	vld [tilespmem:s20+$0x540]  }
0x3d: {  	v9 =	vld [tilespmem:s20+$0x550];
	v14 =	vadd.f32 v11, v6  }
0x3e: {  	s31 =	simm.s32 $0x200;
	v13 =	vadd.f32 v13, v7;
	v11 =	vld [tilespmem:s20+$0x560]  }
.LBB2_2:
0x3f: {  	s21 =	sshra.s32 s31, $0x2;
	p0 =	sne.s32 s31, $0xFE00;
	[tilespmem:s20+$0x500] =	vst v14;
	v12 =	vadd.f32 v12, v5;
	v14 =	vld [tilespmem:s20+$0x570]  }
0x40: {  	v15 =	vld [tilespmem:s21+$0x500];
	[tilespmem:s20+$0x510] =	vst v13;
	v10 =	vadd.f32 v10, v4  }
0x41: {  	v13 =	vld [tilespmem:s21+$0x510];
	[tilespmem:s20+$0x520] =	vst v12;
	v8 =	vadd.f32 v8, v3  }
.Ltmp0:
0x42: {  	v12 =	vld [tilespmem:s21+$0x520];
	[tilespmem:s20+$0x530] =	vst v10;
	v9 =	vadd.f32 v9, v2;
	(pc) =	sbr.rel @p0 .LBB2_2-.Ltmp0, $4  }
0x43: {  	v10 =	vld [tilespmem:s21+$0x530];
	[tilespmem:s20+$0x540] =	vst v8;
	v11 =	vadd.f32 v11, v1  }
0x44: {  	v8 =	vld [tilespmem:s21+$0x540];
	[tilespmem:s20+$0x550] =	vst v9;
	v16 =	vadd.f32 v14, v0  }
0x45: {  	v14 =	vadd.f32 v15, v6;
	v9 =	vld [tilespmem:s21+$0x550];
	[tilespmem:s20+$0x560] =	vst v11  }
0x46: {  	s31 =	sadd.s32 $0x200, s31;
	v13 =	vadd.f32 v13, v7;
	v11 =	vld [tilespmem:s21+$0x560];
	[tilespmem:s20+$0x570] =	vst v16;
	s20 =	smov.u32 s21  }
0x47: {  	[tilespmem:s20+$0x500] =	vst v14;
	v5 =	vadd.f32 v12, v5;
	v6 =	vld [tilespmem:s20+$0x570]  }
0x48: {  	[tilespmem:s20+$0x510] =	vst v13;
	v4 =	vadd.f32 v10, v4  }
0x49: {  	[tilespmem:s20+$0x520] =	vst v5;
	v3 =	vadd.f32 v8, v3  }
0x4a: {  	[tilespmem:s20+$0x530] =	vst v4;
	v2 =	vadd.f32 v9, v2  }
0x4b: {  	[tilespmem:s20+$0x540] =	vst v3;
	v1 =	vadd.f32 v11, v1  }
0x4c: {  	[tilespmem:s20+$0x550] =	vst v2;
	v0 =	vadd.f32 v6, v0  }
0x4d: {  	[tilespmem:s20+$0x560] =	vst v1  }
0x4e: {  	s21 =	rddreg [dreg:$0x9];
	[tilespmem:s20+$0x570] =	vst v0  }
0x4f: {  	[spmem:s21] =	stream.linear.scatter [tilespmem:s2], [sflag:$0xD], $0x4000, $0x38;
	[tilespmem:$0x14500] =	vst v63  }
0x50: {  	_ =	swait.ge [sflag:s5], $0x4000  }
0x51: {  	[sflag:s5] =	ssyncset.done $0x0  }
0x52: {  	[sflag:s5] =	ssyncadd.s32 $0xFFFFC000  }
0x53: {  	_ =	swait.ge [sflag:s7], $0x400  }
0x54: {  	[sflag:s7] =	ssyncset.done $0x0  }
0x55: {  	[sflag:s7] =	ssyncadd.s32 $0xFFFFFC00  }
0x56: {  	[bflag:$0x0] =	sbarrier.arrive $0xFFFF  }
0x57: {  	[tilespmem:s2], [sflag:$0x1] =	stream.linear.gather [spmem:s8], $0x4000, $0x38;
	[tilespmem:$0x14500] =	vst v63  }
0x58: {  	s31 =	rddreg [dreg:$0xa]  }
0x59: {  	[tilespmem:s9], [sflag:$0x2] =	stream.linear.gather [spmem:s31], $0x4000, $0x38;
	[tilespmem:$0x14500] =	vst v63  }
0x5a: {  	s21 =	rddreg [dreg:$0xb]  }
0x5b: {  	[tilespmem:s10], [sflag:$0x3] =	stream.linear.gather [spmem:s21], $0x4000, $0x38;
	[tilespmem:$0x14500] =	vst v63  }
0x5c: {  	_ =	swait.ge [sflag:s6], $0x4000  }
0x5d: {  	[sflag:s6] =	ssyncset.done $0x0  }
0x5e: {  	[sflag:s6] =	ssyncadd.s32 $0xFFFFC000  }
0x5f: {  	[tilespmem:s2], [sflag:$0x5] =	stream.indirect.gather.add.f32 [hbm:s1], $0x80, s4, s11, $0xb8;
	[tilespmem:$0x14500] =	vst v63  }
0x60: {  	s31 =	rddreg [dreg:$0xc]  }
0x61: {  	[tilespmem:s13], [sflag:$0x4] =	stream.linear.gather [spmem:s31], $0x4000, $0x38;
	[tilespmem:$0x14500] =	vst v63  }
0x62: {  	_ =	swait.ge [sflag:s7], $0x4000  }
0x63: {  	[sflag:s7] =	ssyncset.done $0x0  }
0x64: {  	[sflag:s7] =	ssyncadd.s32 $0xFFFFC000  }
0x65: {  	[tilespmem:s9], [sflag:$0x6] =	stream.indirect.gather.add.f32 [hbm:s1], $0x80, s11, s11, $0xb8;
	[tilespmem:$0x14500] =	vst v63  }
0x66: {  	_ =	swait.ge [sflag:s14], $0x4000  }
0x67: {  	[sflag:s14] =	ssyncset.done $0x0  }
0x68: {  	[sflag:s14] =	ssyncadd.s32 $0xFFFFC000  }
0x69: {  	[hbm4b:s12+s4] =	stream.linear.scatter [tilespmem:s2], [sflag:$0x9], $0x4000, $0x38;
	[tilespmem:$0x14500] =	vst v63  }
0x6a: {  	_ =	swait.ge [sflag:s15], $0x4000  }
0x6b: {  	[sflag:s15] =	ssyncset.done $0x0  }
0x6c: {  	s21 =	rddreg [dreg:$0xd];
	[sflag:s15] =	ssyncadd.s32 $0xFFFFC000  }
0x6d: {  	[tilespmem:s2], [sflag:$0x1] =	stream.linear.gather [spmem:s21], $0x4000, $0x38;
	[tilespmem:$0x14500] =	vst v63  }
0x6e: {  	_ =	swait.ge [sflag:s16], $0x4000  }
0x6f: {  	[sflag:s16] =	ssyncset.done $0x0  }
0x70: {  	s31 =	simm.s32 $0x100;
	[sflag:s16] =	ssyncadd.s32 $0xFFFFC000  }
0x71: {  	[tilespmem:s10], [sflag:$0x7] =	stream.indirect.gather.add.f32 [hbm:s1], $0x80, s31, s11, $0xb8;
	[tilespmem:$0x14500] =	vst v63  }
0x72: {  	_ =	swait.ge [sflag:s25], $0x4000  }
0x73: {  	[sflag:s25] =	ssyncset.done $0x0  }
0x74: {  	s21 =	rddreg [dreg:$0xe];
	[sflag:s25] =	ssyncadd.s32 $0xFFFFC000  }
0x75: {  	[hbm4b:s21+s4] =	stream.linear.scatter [tilespmem:s9], [sflag:$0xA], $0x4000, $0x38;
	[tilespmem:$0x14500] =	vst v63  }
0x76: {  	_ =	swait.ge [sflag:s17], $0x4000  }
0x77: {  	[sflag:s17] =	ssyncset.done $0x0  }
0x78: {  	s31 =	rddreg [dreg:$0xf];
	[sflag:s17] =	ssyncadd.s32 $0xFFFFC000  }
0x79: {  	[tilespmem:s9], [sflag:$0x2] =	stream.linear.gather [spmem:s31], $0x4000, $0x38;
	[tilespmem:$0x14500] =	vst v63  }
0x7a: {  	_ =	swait.ge [sflag:s18], $0x4000  }
0x7b: {  	[sflag:s18] =	ssyncset.done $0x0  }
0x7c: {  	s21 =	simm.s32 $0x180;
	[sflag:s18] =	ssyncadd.s32 $0xFFFFC000  }
0x7d: {  	[tilespmem:s13], [sflag:$0x8] =	stream.indirect.gather.add.f32 [hbm:s1], $0x80, s21, s11, $0xb8;
	[tilespmem:$0x14500] =	vst v63  }
0x7e: {  	_ =	swait.ge [sflag:s26], $0x4000  }
0x7f: {  	[sflag:s26] =	ssyncset.done $0x0  }
0x80: {  	s31 =	rddreg [dreg:$0x10];
	[sflag:s26] =	ssyncadd.s32 $0xFFFFC000  }
0x81: {  	[hbm4b:s31+s4] =	stream.linear.scatter [tilespmem:s10], [sflag:$0xB], $0x4000, $0x38;
	[tilespmem:$0x14500] =	vst v63  }
0x82: {  	_ =	swait.ge [sflag:s28], $0x4000  }
0x83: {  	[sflag:s28] =	ssyncset.done $0x0  }
0x84: {  	s21 =	rddreg [dreg:$0x17];
	[sflag:s28] =	ssyncadd.s32 $0xFFFFC000  }
0x85: {  	[tilespmem:s10], [sflag:$0x3] =	stream.linear.gather [spmem:s21], $0x4000, $0x38;
	[tilespmem:$0x14500] =	vst v63  }
0x86: {  	_ =	swait.ge [sflag:s6], $0x4000  }
0x87: {  	[sflag:s6] =	ssyncset.done $0x0  }
0x88: {  	s31 =	simm.s32 $0x200;
	[sflag:s6] =	ssyncadd.s32 $0xFFFFC000  }
0x89: {  	[tilespmem:s2], [sflag:$0x5] =	stream.indirect.gather.add.f32 [hbm:s1], $0x80, s31, s11, $0xb8;
	[tilespmem:$0x14500] =	vst v63  }
0x8a: {  	_ =	swait.ge [sflag:s29], $0x4000  }
0x8b: {  	[sflag:s29] =	ssyncset.done $0x0  }
0x8c: {  	s21 =	rddreg [dreg:$0x18];
	[sflag:s29] =	ssyncadd.s32 $0xFFFFC000  }
0x8d: {  	[hbm4b:s21+s4] =	stream.linear.scatter [tilespmem:s13], [sflag:$0xC], $0x4000, $0x38;
	[tilespmem:$0x14500] =	vst v63  }
0x8e: {  	_ =	swait.ge [sflag:s19], $0x4000  }
0x8f: {  	[sflag:s19] =	ssyncset.done $0x0  }
0x90: {  	s31 =	rddreg [dreg:$0x19];
	[sflag:s19] =	ssyncadd.s32 $0xFFFFC000  }
0x91: {  	[tilespmem:s13], [sflag:$0x4] =	stream.linear.gather [spmem:s31], $0x4000, $0x38;
	[tilespmem:$0x14500] =	vst v63  }
0x92: {  	_ =	swait.ge [sflag:s7], $0x4000  }
0x93: {  	[sflag:s7] =	ssyncset.done $0x0  }
0x94: {  	s21 =	simm.s32 $0x280;
	[sflag:s7] =	ssyncadd.s32 $0xFFFFC000  }
0x95: {  	[tilespmem:s9], [sflag:$0x6] =	stream.indirect.gather.add.f32 [hbm:s1], $0x80, s21, s11, $0xb8;
	[tilespmem:$0x14500] =	vst v63  }
0x96: {  	_ =	swait.ge [sflag:s14], $0x4000  }
0x97: {  	[sflag:s14] =	ssyncset.done $0x0  }
0x98: {  	s31 =	rddreg [dreg:$0x1a];
	[sflag:s14] =	ssyncadd.s32 $0xFFFFC000  }
0x99: {  	[hbm4b:s31+s4] =	stream.linear.scatter [tilespmem:s2], [sflag:$0x9], $0x4000, $0x38;
	[tilespmem:$0x14500] =	vst v63  }
0x9a: {  	_ =	swait.ge [sflag:s16], $0x4000  }
0x9b: {  	[sflag:s16] =	ssyncset.done $0x0  }
0x9c: {  	s21 =	simm.s32 $0x300;
	[sflag:s16] =	ssyncadd.s32 $0xFFFFC000  }
0x9d: {  	[tilespmem:s10], [sflag:$0x7] =	stream.indirect.gather.add.f32 [hbm:s1], $0x80, s21, s11, $0xb8;
	[tilespmem:$0x14500] =	vst v63  }
0x9e: {  	_ =	swait.ge [sflag:s25], $0x4000  }
0x9f: {  	[sflag:s25] =	ssyncset.done $0x0  }
0xa0: {  	s31 =	rddreg [dreg:$0x1b];
	[sflag:s25] =	ssyncadd.s32 $0xFFFFC000  }
0xa1: {  	[hbm4b:s31+s4] =	stream.linear.scatter [tilespmem:s9], [sflag:$0xA], $0x4000, $0x38;
	[tilespmem:$0x14500] =	vst v63  }
0xa2: {  	_ =	swait.ge [sflag:s18], $0x4000  }
0xa3: {  	[sflag:s18] =	ssyncset.done $0x0  }
0xa4: {  	s21 =	simm.s32 $0x380;
	[sflag:s18] =	ssyncadd.s32 $0xFFFFC000  }
0xa5: {  	[tilespmem:s13], [sflag:$0x8] =	stream.indirect.gather.add.f32 [hbm:s1], $0x80, s21, s11, $0xb8;
	[tilespmem:$0x14500] =	vst v63  }
0xa6: {  	_ =	swait.ge [sflag:s26], $0x4000  }
0xa7: {  	[sflag:s26] =	ssyncset.done $0x0  }
0xa8: {  	[sflag:s26] =	ssyncadd.s32 $0xFFFFC000  }
0xa9: {  	[hbm4b:s0+s4] =	stream.linear.scatter [tilespmem:s10], [sflag:$0xB], $0x4000, $0x38;
	[tilespmem:$0x14500] =	vst v63  }
0xaa: {  	_ =	swait.ge [sflag:s29], $0x4000  }
0xab: {  	[sflag:s29] =	ssyncset.done $0x0  }
0xac: {  	[sflag:s29] =	ssyncadd.s32 $0xFFFFC000  }
0xad: {  	[hbm4b:s3+s4] =	stream.linear.scatter [tilespmem:s13], [sflag:$0xC], $0x4000, $0x38;
	[tilespmem:$0x14500] =	vst v63  }
0xae: {  	_ =	swait.ge [sflag:s15], $0x4000  }
0xaf: {  	[sflag:s15] =	ssyncset.done $0x0  }
0xb0: {  	[sflag:s15] =	ssyncadd.s32 $0xFFFFC000  }
0xb1: {  	_ =	swait.ge [sflag:s17], $0x4000  }
0xb2: {  	[sflag:s17] =	ssyncset.done $0x0  }
0xb3: {  	[sflag:s17] =	ssyncadd.s32 $0xFFFFC000  }
0xb4: {  	_ =	swait.ge [sflag:s28], $0x4000  }
0xb5: {  	[sflag:s28] =	ssyncset.done $0x0  }
0xb6: {  	[sflag:s28] =	ssyncadd.s32 $0xFFFFC000  }
0xb7: {  	_ =	swait.ge [sflag:s19], $0x4000  }
0xb8: {  	s30 =	sadd.s32 $0x1, s30;
	s31 =	rddreg [dreg:$0x16]  }
0xb9: {  	p0 =	sne.s32 s30, s31  }
.Ltmp1:
0xba: {  	_ = 	snop;
	(pc) =	sbr.rel @p0 .LBB2_1-.Ltmp1, $3  }
0xbb: {  	_ =	sdelay $0x1  }
0xbc: {  	[sflag:s19] =	ssyncset.done $0x0  }
0xbd: {  	[sflag:s19] =	ssyncadd.s32 $0xFFFFC000  }
0xbe: {  	_ =	sfence.sel $0x180000  }
0xbf: {  	[bflag:$0x0] =	sbarrier.arrive $0xFFFF  }
0xc0: {  	_ =	strace $0x90000047  }
0xc1: {  	s0 =	stileid.u32;
	[bflag:$0x2] =	sbarrier.arrive $0xFFFF  }
0xc2: {  	p0 =	sne.s32 s0, $0x0;
	s0 =	rddreg [dreg:$0x6]  }
0xc3: {  	s0 =	sadd.s32 @!p0 $0x100000, s0  }
0xc4: {  	[sflag:s0] =	ssyncadd.tile.s32 @!p0 $0x1;
	_ =	shalt  }
.Lfunc_end2:
_tile_overlayer_lowered:
.L_overlay_start_2:
0xc5: {  	(tag) =	ssettag $0x2  }
0xc6: {  	s0 =	rddreg [dreg:$0x0];
	s2 =	stileid.u32  }
0xc7: {  	s1 =	rddreg [dreg:$0x1];
	p0 =	sne.s32 s2, $0x0  }
0xc8: {  	s3 =	rddreg [dreg:$0x2];
	[bflag:$0x3] =	sbarrier.arrive $0xFFFF;
	s2 =	simm.s32 @!p0 $0x1C0D  }
0xc9: {  	[timem:s3], [sflag:s2] =	dma.local @!p0 [hbm:s0], s1  }
0xca: {  	s0 =	simm.s32 @!p0 $0xD  }
0xcb: {  	_ =	swait.ge @!p0 [sflag:s0], s1  }
0xcc: {  	s1 =	ssub.s32 @!p0 $0x0, s1;
	[sflag:s0] =	ssyncset.done @!p0 $0x0  }
0xcd: {  	[sflag:s0] =	ssyncadd.s32 @!p0 s1  }
0xce: {  	[bflag:$0x3] =	sbarrier.arrive $0xFFFF  }
0xcf: {  	_ =	shalt  }

</sc_bundles>
